<compile_context>
chip_gen: v7x
topology: tpu7x:2x2x1
jax: 0.10.2.dev20260603
libtpu: 0.0.44.dev20260713+nightly
codegen_flags: <defaults>
</compile_context>

<pallas_src>
import functools

import jax
import jax.numpy as jnp
from jax import lax
from jax.experimental import pallas as pl
from jax.experimental.pallas import tpu as pltpu
from jax.experimental.pallas import tpu_sc as plsc

B = 16384
V = 100000
D = 300
DP = 384

_NC = 2
_NS = 16
_NW = _NC * _NS
_ROWS_PER_W = B // _NW
_CH = 128
_NCHUNK = _ROWS_PER_W // _CH


def _sc_gather(src_table, tgt_table, src_id, tgt_id, out,
               idx_v, rows_v, sem):
    wid = lax.axis_index("s") * _NC + lax.axis_index("c")
    base = wid * _ROWS_PER_W
    for c in range(_NCHUNK):
        off = base + c * _CH
        pltpu.sync_copy(src_id.at[pl.ds(off, _CH)], idx_v)
        pltpu.async_copy(src_table.at[idx_v], rows_v, sem).wait()
        pltpu.sync_copy(rows_v, out.at[pl.ds(off, _CH)])
    for c in range(_NCHUNK):
        off = base + c * _CH
        pltpu.sync_copy(tgt_id.at[pl.ds(off, _CH)], idx_v)
        pltpu.async_copy(tgt_table.at[idx_v], rows_v, sem).wait()
        pltpu.sync_copy(rows_v, out.at[pl.ds(B + off, _CH)])


_sc_gather_call = functools.partial(
    pl.kernel,
    out_type=jax.ShapeDtypeStruct((2 * B, DP), jnp.float32),
    mesh=plsc.VectorSubcoreMesh(core_axis_name="c", subcore_axis_name="s"),
    scratch_types=[
        pltpu.VMEM((_CH,), jnp.int32),
        pltpu.VMEM((_CH, DP), jnp.float32),
        pltpu.SemaphoreType.DMA,
    ],
)(_sc_gather)


_BR = 512


def _tc_body(x_ref, a_ref, be_ref, wd_ref, o_ref):
    i = pl.program_id(0)
    nh = B // _BR

    @pl.when(i < nh)
    def _():
        x = x_ref[...]
        y = lax.dot_general(x, a_ref[...], (((1,), (0,)), ((), ())),
                            preferred_element_type=jnp.float32)
        y = y + be_ref[...]
        o_ref[...] = lax.dot_general(y, wd_ref[...], (((1,), (0,)), ((), ())),
                                     preferred_element_type=jnp.float32)

    @pl.when(i >= nh)
    def _():
        o_ref[...] = x_ref[...][:, :D]


@jax.jit
def kernel(src_table, tgt_table, W_enc, b_enc, W_dec, src_id, tgt_id):
    src_p = jnp.pad(src_table, ((0, 0), (0, DP - D)))
    tgt_p = jnp.pad(tgt_table, ((0, 0), (0, DP - D)))
    gathered = _sc_gather_call(src_p, tgt_p, src_id, tgt_id)
    A = jnp.pad(W_enc.T, ((0, DP - D), (0, 0)))
    grid = (2 * B) // _BR
    out = pl.pallas_call(
        _tc_body,
        grid=(grid,),
        in_specs=[
            pl.BlockSpec((_BR, DP), lambda i: (i, 0)),
            pl.BlockSpec((DP, D), lambda i: (0, 0)),
            pl.BlockSpec((1, D), lambda i: (0, 0)),
            pl.BlockSpec((D, D), lambda i: (0, 0)),
        ],
        out_specs=pl.BlockSpec((_BR, D), lambda i: (i, 0)),
        out_shape=jax.ShapeDtypeStruct((2 * B, D), jnp.float32),
    )(gathered, A, b_enc.reshape(1, D), W_dec)
    return out

# --- scband reference (transcript-rebuilt; emitter-appended) ---
"""Pipeline reference for scband-umwe-12000138625482 (READ-ONLY COPY).

The authoritative reference and input builder live on the scoring server;
editing this copy changes nothing except your own understanding.
"""

import jax, jax.numpy as jnp
import numpy as np

B = 16384
V = 100000
D = 300

def setup_inputs(seed: int = 0) -> dict:
    key = jax.random.key(seed)
    ks = jax.random.split(key, 8)
    src_id = jax.random.randint(ks[0], (B,), 0, V, dtype=jnp.int64 if jax.config.jax_enable_x64 else jnp.int32).astype(jnp.int32)
    tgt_id = jax.random.randint(ks[1], (B,), 0, V).astype(jnp.int32)
    # learned parameters (embedding tables + encoder/decoder linear maps)
    src_table = jax.random.normal(ks[2], (V, D), dtype=jnp.float32) * 0.1
    tgt_table = jax.random.normal(ks[3], (V, D), dtype=jnp.float32) * 0.1
    # encdec weights initialized to identity (as in the torch module) plus small noise
    W_enc = jnp.eye(D, dtype=jnp.float32) + 0.01 * jax.random.normal(ks[4], (D, D), dtype=jnp.float32)
    b_enc = jnp.zeros((D,), dtype=jnp.float32)
    W_dec = jnp.eye(D, dtype=jnp.float32) + 0.01 * jax.random.normal(ks[5], (D, D), dtype=jnp.float32)
    return {
        'src_table': src_table,
        'tgt_table': tgt_table,
        'W_enc': W_enc,
        'b_enc': b_enc,
        'W_dec': W_dec,
        'src_id': src_id,
        'tgt_id': tgt_id,
    }

def reference(src_table, tgt_table, W_enc, b_enc, W_dec, src_id, tgt_id):
    # src_emb = embs[enc_lang](src_id)
    src_emb = jnp.take(src_table, src_id, axis=0)
    # tgt_emb = embs[dec_lang](tgt_id)
    tgt_emb = jnp.take(tgt_table, tgt_id, axis=0)
    # src_emb = encdec[enc_lang](src_emb)   (nn.Linear: x @ W.T + b)
    src_enc = src_emb @ W_enc.T + b_enc
    # src_emb = F.linear(src_emb, encdec[dec_lang].weight.t())  -> x @ (W.T).T = x @ W
    src_mapped = src_enc @ W_dec
    # x_to_disc = torch.cat([src_emb, tgt_emb], 0)
    x_to_disc = jnp.concatenate([src_mapped, tgt_emb], axis=0)
    return x_to_disc

if __name__ == "__main__":
    import jax
    _d = setup_inputs()
    print(jax.jit(kernel)(*tuple(_d.values())))

</pallas_src>

<mosaic_0001>
#map = affine_map<(d0, d1) -> (0, 0)>
#map1 = affine_map<(d0, d1) -> (0)>
module attributes {stable_mosaic.version = 14 : i64} {
  func.func @_sc_gather(%arg0: i32, %arg1: i32, %arg2: memref<100000x384xf32, #tpu.memory_space<hbm>>, %arg3: memref<100000x384xf32, #tpu.memory_space<hbm>>, %arg4: memref<16384xi32, #tpu.memory_space<hbm>>, %arg5: memref<16384xi32, #tpu.memory_space<hbm>>, %arg6: memref<32768x384xf32, #tpu.memory_space<hbm>>, %arg7: memref<128xi32, #tpu.memory_space<vmem>>, %arg8: memref<128x384xf32, #tpu.memory_space<vmem>>, %arg9: memref<!tpu.dma_semaphore, #tpu.memory_space<semaphore_mem>>) attributes {dimension_semantics = [#tpu.dimension_semantics<core_parallel>, #tpu.dimension_semantics<subcore_parallel>], iteration_bounds = array<i64: 2, 16>, scalar_prefetch = 0 : i64, scratch_operands = 3 : i64, tpu.core_type = #tpu.core_type<sc_vector_subcore>, window_params = [{transform_indices = #map}, {transform_indices = #map}, {transform_indices = #map1}, {transform_indices = #map1}, {transform_indices = #map}]} {
    %mul3A = arith.constant 2 : i32
    %mul3A_0 = arith.muli %arg1, %mul3A : i32
    %add3A = arith.addi %mul3A_0, %arg0 : i32
    %mul3A_1 = arith.constant 512 : i32
    %mul3A_2 = arith.muli %add3A, %mul3A_1 : i32
    %add3A_3 = arith.constant 0 : i32
    %add3A_4 = arith.addi %mul3A_2, %add3A_3 : i32
    "tpu.region"() ({
      %run_scoped3A = tpu.sem_alloc : memref<!tpu.dma_semaphore, #tpu.memory_space<semaphore_mem>>
      %dma_start3A_73 = tpu.memref_slice %arg4[%add3A_4] : memref<16384xi32, #tpu.memory_space<hbm>> -> memref<128xi32, #tpu.memory_space<hbm>>
      %dma_start3A_74 = tpu.memref_slice %arg4[%add3A_4] : memref<16384xi32, #tpu.memory_space<hbm>> -> memref<128xi32, #tpu.memory_space<hbm>>
      tpu.enqueue_dma source(%dma_start3A_74 : memref<128xi32, #tpu.memory_space<hbm>>) target(%arg7 : memref<128xi32, #tpu.memory_space<vmem>>) target_semaphore(%run_scoped3A : memref<!tpu.dma_semaphore, #tpu.memory_space<semaphore_mem>>)
      %dma_wait3A_75 = tpu.memref_slice %arg4[%add3A_4] : memref<16384xi32, #tpu.memory_space<hbm>> -> memref<128xi32, #tpu.memory_space<hbm>>
      %dma_wait3A_76 = tpu.memref_slice %arg4[%add3A_4] : memref<16384xi32, #tpu.memory_space<hbm>> -> memref<128xi32, #tpu.memory_space<hbm>>
      tpu.wait_dma2 semaphore(%run_scoped3A : memref<!tpu.dma_semaphore, #tpu.memory_space<semaphore_mem>>) src(%dma_wait3A_76 : memref<128xi32, #tpu.memory_space<hbm>>) dst(%arg7 : memref<128xi32, #tpu.memory_space<vmem>>)
      tpu.yield
    }) : () -> ()
    %dma_start3A = arith.constant 0 : i32
    %dma_start3A_5 = arith.constant 0 : i32
    %dma_start3A_6 = tpu.memref_slice %arg2[%dma_start3A, %dma_start3A_5] : memref<100000x384xf32, #tpu.memory_space<hbm>> -> memref<100000x384xf32, #tpu.memory_space<hbm>>
    tpu.enqueue_indirect_dma source(%dma_start3A_6 : memref<100000x384xf32, #tpu.memory_space<hbm>>) target(%arg8 : memref<128x384xf32, #tpu.memory_space<vmem>>) offsets(%arg7 : memref<128xi32, #tpu.memory_space<vmem>>) semaphore(%arg9 : memref<!tpu.dma_semaphore, #tpu.memory_space<semaphore_mem>>)
    %dma_wait3A = arith.constant 0 : i32
    %dma_wait3A_7 = arith.constant 0 : i32
    %dma_wait3A_8 = tpu.memref_slice %arg2[%dma_wait3A, %dma_wait3A_7] : memref<100000x384xf32, #tpu.memory_space<hbm>> -> memref<100000x384xf32, #tpu.memory_space<hbm>>
    tpu.wait_indirect_dma semaphore(%arg9 : memref<!tpu.dma_semaphore, #tpu.memory_space<semaphore_mem>>) src(%dma_wait3A_8 : memref<100000x384xf32, #tpu.memory_space<hbm>>) dst(%arg8 : memref<128x384xf32, #tpu.memory_space<vmem>>)
    "tpu.region"() ({
      %run_scoped3A = tpu.sem_alloc : memref<!tpu.dma_semaphore, #tpu.memory_space<semaphore_mem>>
      %dma_start3A_73 = arith.constant 0 : i32
      %dma_start3A_74 = tpu.memref_slice %arg6[%add3A_4, %dma_start3A_73] : memref<32768x384xf32, #tpu.memory_space<hbm>> -> memref<128x384xf32, #tpu.memory_space<hbm>>
      %dma_start3A_75 = arith.constant 0 : i32
      %dma_start3A_76 = tpu.memref_slice %arg6[%add3A_4, %dma_start3A_75] : memref<32768x384xf32, #tpu.memory_space<hbm>> -> memref<128x384xf32, #tpu.memory_space<hbm>>
      tpu.enqueue_dma source(%arg8 : memref<128x384xf32, #tpu.memory_space<vmem>>) target(%dma_start3A_76 : memref<128x384xf32, #tpu.memory_space<hbm>>) target_semaphore(%run_scoped3A : memref<!tpu.dma_semaphore, #tpu.memory_space<semaphore_mem>>)
      %dma_wait3A_77 = arith.constant 0 : i32
      %dma_wait3A_78 = tpu.memref_slice %arg6[%add3A_4, %dma_wait3A_77] : memref<32768x384xf32, #tpu.memory_space<hbm>> -> memref<128x384xf32, #tpu.memory_space<hbm>>
      %dma_wait3A_79 = arith.constant 0 : i32
      %dma_wait3A_80 = tpu.memref_slice %arg6[%add3A_4, %dma_wait3A_79] : memref<32768x384xf32, #tpu.memory_space<hbm>> -> memref<128x384xf32, #tpu.memory_space<hbm>>
      tpu.wait_dma2 semaphore(%run_scoped3A : memref<!tpu.dma_semaphore, #tpu.memory_space<semaphore_mem>>) src(%arg8 : memref<128x384xf32, #tpu.memory_space<vmem>>) dst(%dma_wait3A_80 : memref<128x384xf32, #tpu.memory_space<hbm>>)
      tpu.yield
    }) : () -> ()
    %add3A_9 = arith.constant 128 : i32
    %add3A_10 = arith.addi %mul3A_2, %add3A_9 : i32
    "tpu.region"() ({
      %run_scoped3A = tpu.sem_alloc : memref<!tpu.dma_semaphore, #tpu.memory_space<semaphore_mem>>
      %dma_start3A_73 = tpu.memref_slice %arg4[%add3A_10] : memref<16384xi32, #tpu.memory_space<hbm>> -> memref<128xi32, #tpu.memory_space<hbm>>
      %dma_start3A_74 = tpu.memref_slice %arg4[%add3A_10] : memref<16384xi32, #tpu.memory_space<hbm>> -> memref<128xi32, #tpu.memory_space<hbm>>
      tpu.enqueue_dma source(%dma_start3A_74 : memref<128xi32, #tpu.memory_space<hbm>>) target(%arg7 : memref<128xi32, #tpu.memory_space<vmem>>) target_semaphore(%run_scoped3A : memref<!tpu.dma_semaphore, #tpu.memory_space<semaphore_mem>>)
      %dma_wait3A_75 = tpu.memref_slice %arg4[%add3A_10] : memref<16384xi32, #tpu.memory_space<hbm>> -> memref<128xi32, #tpu.memory_space<hbm>>
      %dma_wait3A_76 = tpu.memref_slice %arg4[%add3A_10] : memref<16384xi32, #tpu.memory_space<hbm>> -> memref<128xi32, #tpu.memory_space<hbm>>
      tpu.wait_dma2 semaphore(%run_scoped3A : memref<!tpu.dma_semaphore, #tpu.memory_space<semaphore_mem>>) src(%dma_wait3A_76 : memref<128xi32, #tpu.memory_space<hbm>>) dst(%arg7 : memref<128xi32, #tpu.memory_space<vmem>>)
      tpu.yield
    }) : () -> ()
    %dma_start3A_11 = arith.constant 0 : i32
    %dma_start3A_12 = arith.constant 0 : i32
    %dma_start3A_13 = tpu.memref_slice %arg2[%dma_start3A_11, %dma_start3A_12] : memref<100000x384xf32, #tpu.memory_space<hbm>> -> memref<100000x384xf32, #tpu.memory_space<hbm>>
    tpu.enqueue_indirect_dma source(%dma_start3A_13 : memref<100000x384xf32, #tpu.memory_space<hbm>>) target(%arg8 : memref<128x384xf32, #tpu.memory_space<vmem>>) offsets(%arg7 : memref<128xi32, #tpu.memory_space<vmem>>) semaphore(%arg9 : memref<!tpu.dma_semaphore, #tpu.memory_space<semaphore_mem>>)
    %dma_wait3A_14 = arith.constant 0 : i32
    %dma_wait3A_15 = arith.constant 0 : i32
    %dma_wait3A_16 = tpu.memref_slice %arg2[%dma_wait3A_14, %dma_wait3A_15] : memref<100000x384xf32, #tpu.memory_space<hbm>> -> memref<100000x384xf32, #tpu.memory_space<hbm>>
    tpu.wait_indirect_dma semaphore(%arg9 : memref<!tpu.dma_semaphore, #tpu.memory_space<semaphore_mem>>) src(%dma_wait3A_16 : memref<100000x384xf32, #tpu.memory_space<hbm>>) dst(%arg8 : memref<128x384xf32, #tpu.memory_space<vmem>>)
    "tpu.region"() ({
      %run_scoped3A = tpu.sem_alloc : memref<!tpu.dma_semaphore, #tpu.memory_space<semaphore_mem>>
      %dma_start3A_73 = arith.constant 0 : i32
      %dma_start3A_74 = tpu.memref_slice %arg6[%add3A_10, %dma_start3A_73] : memref<32768x384xf32, #tpu.memory_space<hbm>> -> memref<128x384xf32, #tpu.memory_space<hbm>>
      %dma_start3A_75 = arith.constant 0 : i32
      %dma_start3A_76 = tpu.memref_slice %arg6[%add3A_10, %dma_start3A_75] : memref<32768x384xf32, #tpu.memory_space<hbm>> -> memref<128x384xf32, #tpu.memory_space<hbm>>
      tpu.enqueue_dma source(%arg8 : memref<128x384xf32, #tpu.memory_space<vmem>>) target(%dma_start3A_76 : memref<128x384xf32, #tpu.memory_space<hbm>>) target_semaphore(%run_scoped3A : memref<!tpu.dma_semaphore, #tpu.memory_space<semaphore_mem>>)
      %dma_wait3A_77 = arith.constant 0 : i32
      %dma_wait3A_78 = tpu.memref_slice %arg6[%add3A_10, %dma_wait3A_77] : memref<32768x384xf32, #tpu.memory_space<hbm>> -> memref<128x384xf32, #tpu.memory_space<hbm>>
      %dma_wait3A_79 = arith.constant 0 : i32
      %dma_wait3A_80 = tpu.memref_slice %arg6[%add3A_10, %dma_wait3A_79] : memref<32768x384xf32, #tpu.memory_space<hbm>> -> memref<128x384xf32, #tpu.memory_space<hbm>>
      tpu.wait_dma2 semaphore(%run_scoped3A : memref<!tpu.dma_semaphore, #tpu.memory_space<semaphore_mem>>) src(%arg8 : memref<128x384xf32, #tpu.memory_space<vmem>>) dst(%dma_wait3A_80 : memref<128x384xf32, #tpu.memory_space<hbm>>)
      tpu.yield
    }) : () -> ()
    %add3A_17 = arith.constant 256 : i32
    %add3A_18 = arith.addi %mul3A_2, %add3A_17 : i32
    "tpu.region"() ({
      %run_scoped3A = tpu.sem_alloc : memref<!tpu.dma_semaphore, #tpu.memory_space<semaphore_mem>>
      %dma_start3A_73 = tpu.memref_slice %arg4[%add3A_18] : memref<16384xi32, #tpu.memory_space<hbm>> -> memref<128xi32, #tpu.memory_space<hbm>>
      %dma_start3A_74 = tpu.memref_slice %arg4[%add3A_18] : memref<16384xi32, #tpu.memory_space<hbm>> -> memref<128xi32, #tpu.memory_space<hbm>>
      tpu.enqueue_dma source(%dma_start3A_74 : memref<128xi32, #tpu.memory_space<hbm>>) target(%arg7 : memref<128xi32, #tpu.memory_space<vmem>>) target_semaphore(%run_scoped3A : memref<!tpu.dma_semaphore, #tpu.memory_space<semaphore_mem>>)
      %dma_wait3A_75 = tpu.memref_slice %arg4[%add3A_18] : memref<16384xi32, #tpu.memory_space<hbm>> -> memref<128xi32, #tpu.memory_space<hbm>>
      %dma_wait3A_76 = tpu.memref_slice %arg4[%add3A_18] : memref<16384xi32, #tpu.memory_space<hbm>> -> memref<128xi32, #tpu.memory_space<hbm>>
      tpu.wait_dma2 semaphore(%run_scoped3A : memref<!tpu.dma_semaphore, #tpu.memory_space<semaphore_mem>>) src(%dma_wait3A_76 : memref<128xi32, #tpu.memory_space<hbm>>) dst(%arg7 : memref<128xi32, #tpu.memory_space<vmem>>)
      tpu.yield
    }) : () -> ()
    %dma_start3A_19 = arith.constant 0 : i32
    %dma_start3A_20 = arith.constant 0 : i32
    %dma_start3A_21 = tpu.memref_slice %arg2[%dma_start3A_19, %dma_start3A_20] : memref<100000x384xf32, #tpu.memory_space<hbm>> -> memref<100000x384xf32, #tpu.memory_space<hbm>>
    tpu.enqueue_indirect_dma source(%dma_start3A_21 : memref<100000x384xf32, #tpu.memory_space<hbm>>) target(%arg8 : memref<128x384xf32, #tpu.memory_space<vmem>>) offsets(%arg7 : memref<128xi32, #tpu.memory_space<vmem>>) semaphore(%arg9 : memref<!tpu.dma_semaphore, #tpu.memory_space<semaphore_mem>>)
    %dma_wait3A_22 = arith.constant 0 : i32
    %dma_wait3A_23 = arith.constant 0 : i32
    %dma_wait3A_24 = tpu.memref_slice %arg2[%dma_wait3A_22, %dma_wait3A_23] : memref<100000x384xf32, #tpu.memory_space<hbm>> -> memref<100000x384xf32, #tpu.memory_space<hbm>>
    tpu.wait_indirect_dma semaphore(%arg9 : memref<!tpu.dma_semaphore, #tpu.memory_space<semaphore_mem>>) src(%dma_wait3A_24 : memref<100000x384xf32, #tpu.memory_space<hbm>>) dst(%arg8 : memref<128x384xf32, #tpu.memory_space<vmem>>)
    "tpu.region"() ({
      %run_scoped3A = tpu.sem_alloc : memref<!tpu.dma_semaphore, #tpu.memory_space<semaphore_mem>>
      %dma_start3A_73 = arith.constant 0 : i32
      %dma_start3A_74 = tpu.memref_slice %arg6[%add3A_18, %dma_start3A_73] : memref<32768x384xf32, #tpu.memory_space<hbm>> -> memref<128x384xf32, #tpu.memory_space<hbm>>
      %dma_start3A_75 = arith.constant 0 : i32
      %dma_start3A_76 = tpu.memref_slice %arg6[%add3A_18, %dma_start3A_75] : memref<32768x384xf32, #tpu.memory_space<hbm>> -> memref<128x384xf32, #tpu.memory_space<hbm>>
      tpu.enqueue_dma source(%arg8 : memref<128x384xf32, #tpu.memory_space<vmem>>) target(%dma_start3A_76 : memref<128x384xf32, #tpu.memory_space<hbm>>) target_semaphore(%run_scoped3A : memref<!tpu.dma_semaphore, #tpu.memory_space<semaphore_mem>>)
      %dma_wait3A_77 = arith.constant 0 : i32
      %dma_wait3A_78 = tpu.memref_slice %arg6[%add3A_18, %dma_wait3A_77] : memref<32768x384xf32, #tpu.memory_space<hbm>> -> memref<128x384xf32, #tpu.memory_space<hbm>>
      %dma_wait3A_79 = arith.constant 0 : i32
      %dma_wait3A_80 = tpu.memref_slice %arg6[%add3A_18, %dma_wait3A_79] : memref<32768x384xf32, #tpu.memory_space<hbm>> -> memref<128x384xf32, #tpu.memory_space<hbm>>
      tpu.wait_dma2 semaphore(%run_scoped3A : memref<!tpu.dma_semaphore, #tpu.memory_space<semaphore_mem>>) src(%arg8 : memref<128x384xf32, #tpu.memory_space<vmem>>) dst(%dma_wait3A_80 : memref<128x384xf32, #tpu.memory_space<hbm>>)
      tpu.yield
    }) : () -> ()
    %add3A_25 = arith.constant 384 : i32
    %add3A_26 = arith.addi %mul3A_2, %add3A_25 : i32
    "tpu.region"() ({
      %run_scoped3A = tpu.sem_alloc : memref<!tpu.dma_semaphore, #tpu.memory_space<semaphore_mem>>
      %dma_start3A_73 = tpu.memref_slice %arg4[%add3A_26] : memref<16384xi32, #tpu.memory_space<hbm>> -> memref<128xi32, #tpu.memory_space<hbm>>
      %dma_start3A_74 = tpu.memref_slice %arg4[%add3A_26] : memref<16384xi32, #tpu.memory_space<hbm>> -> memref<128xi32, #tpu.memory_space<hbm>>
      tpu.enqueue_dma source(%dma_start3A_74 : memref<128xi32, #tpu.memory_space<hbm>>) target(%arg7 : memref<128xi32, #tpu.memory_space<vmem>>) target_semaphore(%run_scoped3A : memref<!tpu.dma_semaphore, #tpu.memory_space<semaphore_mem>>)
      %dma_wait3A_75 = tpu.memref_slice %arg4[%add3A_26] : memref<16384xi32, #tpu.memory_space<hbm>> -> memref<128xi32, #tpu.memory_space<hbm>>
      %dma_wait3A_76 = tpu.memref_slice %arg4[%add3A_26] : memref<16384xi32, #tpu.memory_space<hbm>> -> memref<128xi32, #tpu.memory_space<hbm>>
      tpu.wait_dma2 semaphore(%run_scoped3A : memref<!tpu.dma_semaphore, #tpu.memory_space<semaphore_mem>>) src(%dma_wait3A_76 : memref<128xi32, #tpu.memory_space<hbm>>) dst(%arg7 : memref<128xi32, #tpu.memory_space<vmem>>)
      tpu.yield
    }) : () -> ()
    %dma_start3A_27 = arith.constant 0 : i32
    %dma_start3A_28 = arith.constant 0 : i32
    %dma_start3A_29 = tpu.memref_slice %arg2[%dma_start3A_27, %dma_start3A_28] : memref<100000x384xf32, #tpu.memory_space<hbm>> -> memref<100000x384xf32, #tpu.memory_space<hbm>>
    tpu.enqueue_indirect_dma source(%dma_start3A_29 : memref<100000x384xf32, #tpu.memory_space<hbm>>) target(%arg8 : memref<128x384xf32, #tpu.memory_space<vmem>>) offsets(%arg7 : memref<128xi32, #tpu.memory_space<vmem>>) semaphore(%arg9 : memref<!tpu.dma_semaphore, #tpu.memory_space<semaphore_mem>>)
    %dma_wait3A_30 = arith.constant 0 : i32
    %dma_wait3A_31 = arith.constant 0 : i32
    %dma_wait3A_32 = tpu.memref_slice %arg2[%dma_wait3A_30, %dma_wait3A_31] : memref<100000x384xf32, #tpu.memory_space<hbm>> -> memref<100000x384xf32, #tpu.memory_space<hbm>>
    tpu.wait_indirect_dma semaphore(%arg9 : memref<!tpu.dma_semaphore, #tpu.memory_space<semaphore_mem>>) src(%dma_wait3A_32 : memref<100000x384xf32, #tpu.memory_space<hbm>>) dst(%arg8 : memref<128x384xf32, #tpu.memory_space<vmem>>)
    "tpu.region"() ({
      %run_scoped3A = tpu.sem_alloc : memref<!tpu.dma_semaphore, #tpu.memory_space<semaphore_mem>>
      %dma_start3A_73 = arith.constant 0 : i32
      %dma_start3A_74 = tpu.memref_slice %arg6[%add3A_26, %dma_start3A_73] : memref<32768x384xf32, #tpu.memory_space<hbm>> -> memref<128x384xf32, #tpu.memory_space<hbm>>
      %dma_start3A_75 = arith.constant 0 : i32
      %dma_start3A_76 = tpu.memref_slice %arg6[%add3A_26, %dma_start3A_75] : memref<32768x384xf32, #tpu.memory_space<hbm>> -> memref<128x384xf32, #tpu.memory_space<hbm>>
      tpu.enqueue_dma source(%arg8 : memref<128x384xf32, #tpu.memory_space<vmem>>) target(%dma_start3A_76 : memref<128x384xf32, #tpu.memory_space<hbm>>) target_semaphore(%run_scoped3A : memref<!tpu.dma_semaphore, #tpu.memory_space<semaphore_mem>>)
      %dma_wait3A_77 = arith.constant 0 : i32
      %dma_wait3A_78 = tpu.memref_slice %arg6[%add3A_26, %dma_wait3A_77] : memref<32768x384xf32, #tpu.memory_space<hbm>> -> memref<128x384xf32, #tpu.memory_space<hbm>>
      %dma_wait3A_79 = arith.constant 0 : i32
      %dma_wait3A_80 = tpu.memref_slice %arg6[%add3A_26, %dma_wait3A_79] : memref<32768x384xf32, #tpu.memory_space<hbm>> -> memref<128x384xf32, #tpu.memory_space<hbm>>
      tpu.wait_dma2 semaphore(%run_scoped3A : memref<!tpu.dma_semaphore, #tpu.memory_space<semaphore_mem>>) src(%arg8 : memref<128x384xf32, #tpu.memory_space<vmem>>) dst(%dma_wait3A_80 : memref<128x384xf32, #tpu.memory_space<hbm>>)
      tpu.yield
    }) : () -> ()
    %add3A_33 = arith.constant 0 : i32
    %add3A_34 = arith.addi %mul3A_2, %add3A_33 : i32
    "tpu.region"() ({
      %run_scoped3A = tpu.sem_alloc : memref<!tpu.dma_semaphore, #tpu.memory_space<semaphore_mem>>
      %dma_start3A_73 = tpu.memref_slice %arg5[%add3A_34] : memref<16384xi32, #tpu.memory_space<hbm>> -> memref<128xi32, #tpu.memory_space<hbm>>
      %dma_start3A_74 = tpu.memref_slice %arg5[%add3A_34] : memref<16384xi32, #tpu.memory_space<hbm>> -> memref<128xi32, #tpu.memory_space<hbm>>
      tpu.enqueue_dma source(%dma_start3A_74 : memref<128xi32, #tpu.memory_space<hbm>>) target(%arg7 : memref<128xi32, #tpu.memory_space<vmem>>) target_semaphore(%run_scoped3A : memref<!tpu.dma_semaphore, #tpu.memory_space<semaphore_mem>>)
      %dma_wait3A_75 = tpu.memref_slice %arg5[%add3A_34] : memref<16384xi32, #tpu.memory_space<hbm>> -> memref<128xi32, #tpu.memory_space<hbm>>
      %dma_wait3A_76 = tpu.memref_slice %arg5[%add3A_34] : memref<16384xi32, #tpu.memory_space<hbm>> -> memref<128xi32, #tpu.memory_space<hbm>>
      tpu.wait_dma2 semaphore(%run_scoped3A : memref<!tpu.dma_semaphore, #tpu.memory_space<semaphore_mem>>) src(%dma_wait3A_76 : memref<128xi32, #tpu.memory_space<hbm>>) dst(%arg7 : memref<128xi32, #tpu.memory_space<vmem>>)
      tpu.yield
    }) : () -> ()
    %dma_start3A_35 = arith.constant 0 : i32
    %dma_start3A_36 = arith.constant 0 : i32
    %dma_start3A_37 = tpu.memref_slice %arg3[%dma_start3A_35, %dma_start3A_36] : memref<100000x384xf32, #tpu.memory_space<hbm>> -> memref<100000x384xf32, #tpu.memory_space<hbm>>
    tpu.enqueue_indirect_dma source(%dma_start3A_37 : memref<100000x384xf32, #tpu.memory_space<hbm>>) target(%arg8 : memref<128x384xf32, #tpu.memory_space<vmem>>) offsets(%arg7 : memref<128xi32, #tpu.memory_space<vmem>>) semaphore(%arg9 : memref<!tpu.dma_semaphore, #tpu.memory_space<semaphore_mem>>)
    %dma_wait3A_38 = arith.constant 0 : i32
    %dma_wait3A_39 = arith.constant 0 : i32
    %dma_wait3A_40 = tpu.memref_slice %arg3[%dma_wait3A_38, %dma_wait3A_39] : memref<100000x384xf32, #tpu.memory_space<hbm>> -> memref<100000x384xf32, #tpu.memory_space<hbm>>
    tpu.wait_indirect_dma semaphore(%arg9 : memref<!tpu.dma_semaphore, #tpu.memory_space<semaphore_mem>>) src(%dma_wait3A_40 : memref<100000x384xf32, #tpu.memory_space<hbm>>) dst(%arg8 : memref<128x384xf32, #tpu.memory_space<vmem>>)
    %add3A_41 = arith.constant 16384 : i32
    %add3A_42 = arith.addi %add3A_41, %add3A_34 : i32
    "tpu.region"() ({
      %run_scoped3A = tpu.sem_alloc : memref<!tpu.dma_semaphore, #tpu.memory_space<semaphore_mem>>
      %dma_start3A_73 = arith.constant 0 : i32
      %dma_start3A_74 = tpu.memref_slice %arg6[%add3A_42, %dma_start3A_73] : memref<32768x384xf32, #tpu.memory_space<hbm>> -> memref<128x384xf32, #tpu.memory_space<hbm>>
      %dma_start3A_75 = arith.constant 0 : i32
      %dma_start3A_76 = tpu.memref_slice %arg6[%add3A_42, %dma_start3A_75] : memref<32768x384xf32, #tpu.memory_space<hbm>> -> memref<128x384xf32, #tpu.memory_space<hbm>>
      tpu.enqueue_dma source(%arg8 : memref<128x384xf32, #tpu.memory_space<vmem>>) target(%dma_start3A_76 : memref<128x384xf32, #tpu.memory_space<hbm>>) target_semaphore(%run_scoped3A : memref<!tpu.dma_semaphore, #tpu.memory_space<semaphore_mem>>)
      %dma_wait3A_77 = arith.constant 0 : i32
      %dma_wait3A_78 = tpu.memref_slice %arg6[%add3A_42, %dma_wait3A_77] : memref<32768x384xf32, #tpu.memory_space<hbm>> -> memref<128x384xf32, #tpu.memory_space<hbm>>
      %dma_wait3A_79 = arith.constant 0 : i32
      %dma_wait3A_80 = tpu.memref_slice %arg6[%add3A_42, %dma_wait3A_79] : memref<32768x384xf32, #tpu.memory_space<hbm>> -> memref<128x384xf32, #tpu.memory_space<hbm>>
      tpu.wait_dma2 semaphore(%run_scoped3A : memref<!tpu.dma_semaphore, #tpu.memory_space<semaphore_mem>>) src(%arg8 : memref<128x384xf32, #tpu.memory_space<vmem>>) dst(%dma_wait3A_80 : memref<128x384xf32, #tpu.memory_space<hbm>>)
      tpu.yield
    }) : () -> ()
    %add3A_43 = arith.constant 128 : i32
    %add3A_44 = arith.addi %mul3A_2, %add3A_43 : i32
    "tpu.region"() ({
      %run_scoped3A = tpu.sem_alloc : memref<!tpu.dma_semaphore, #tpu.memory_space<semaphore_mem>>
      %dma_start3A_73 = tpu.memref_slice %arg5[%add3A_44] : memref<16384xi32, #tpu.memory_space<hbm>> -> memref<128xi32, #tpu.memory_space<hbm>>
      %dma_start3A_74 = tpu.memref_slice %arg5[%add3A_44] : memref<16384xi32, #tpu.memory_space<hbm>> -> memref<128xi32, #tpu.memory_space<hbm>>
      tpu.enqueue_dma source(%dma_start3A_74 : memref<128xi32, #tpu.memory_space<hbm>>) target(%arg7 : memref<128xi32, #tpu.memory_space<vmem>>) target_semaphore(%run_scoped3A : memref<!tpu.dma_semaphore, #tpu.memory_space<semaphore_mem>>)
      %dma_wait3A_75 = tpu.memref_slice %arg5[%add3A_44] : memref<16384xi32, #tpu.memory_space<hbm>> -> memref<128xi32, #tpu.memory_space<hbm>>
      %dma_wait3A_76 = tpu.memref_slice %arg5[%add3A_44] : memref<16384xi32, #tpu.memory_space<hbm>> -> memref<128xi32, #tpu.memory_space<hbm>>
      tpu.wait_dma2 semaphore(%run_scoped3A : memref<!tpu.dma_semaphore, #tpu.memory_space<semaphore_mem>>) src(%dma_wait3A_76 : memref<128xi32, #tpu.memory_space<hbm>>) dst(%arg7 : memref<128xi32, #tpu.memory_space<vmem>>)
      tpu.yield
    }) : () -> ()
    %dma_start3A_45 = arith.constant 0 : i32
    %dma_start3A_46 = arith.constant 0 : i32
    %dma_start3A_47 = tpu.memref_slice %arg3[%dma_start3A_45, %dma_start3A_46] : memref<100000x384xf32, #tpu.memory_space<hbm>> -> memref<100000x384xf32, #tpu.memory_space<hbm>>
    tpu.enqueue_indirect_dma source(%dma_start3A_47 : memref<100000x384xf32, #tpu.memory_space<hbm>>) target(%arg8 : memref<128x384xf32, #tpu.memory_space<vmem>>) offsets(%arg7 : memref<128xi32, #tpu.memory_space<vmem>>) semaphore(%arg9 : memref<!tpu.dma_semaphore, #tpu.memory_space<semaphore_mem>>)
    %dma_wait3A_48 = arith.constant 0 : i32
    %dma_wait3A_49 = arith.constant 0 : i32
    %dma_wait3A_50 = tpu.memref_slice %arg3[%dma_wait3A_48, %dma_wait3A_49] : memref<100000x384xf32, #tpu.memory_space<hbm>> -> memref<100000x384xf32, #tpu.memory_space<hbm>>
    tpu.wait_indirect_dma semaphore(%arg9 : memref<!tpu.dma_semaphore, #tpu.memory_space<semaphore_mem>>) src(%dma_wait3A_50 : memref<100000x384xf32, #tpu.memory_space<hbm>>) dst(%arg8 : memref<128x384xf32, #tpu.memory_space<vmem>>)
    %add3A_51 = arith.constant 16384 : i32
    %add3A_52 = arith.addi %add3A_51, %add3A_44 : i32
    "tpu.region"() ({
      %run_scoped3A = tpu.sem_alloc : memref<!tpu.dma_semaphore, #tpu.memory_space<semaphore_mem>>
      %dma_start3A_73 = arith.constant 0 : i32
      %dma_start3A_74 = tpu.memref_slice %arg6[%add3A_52, %dma_start3A_73] : memref<32768x384xf32, #tpu.memory_space<hbm>> -> memref<128x384xf32, #tpu.memory_space<hbm>>
      %dma_start3A_75 = arith.constant 0 : i32
      %dma_start3A_76 = tpu.memref_slice %arg6[%add3A_52, %dma_start3A_75] : memref<32768x384xf32, #tpu.memory_space<hbm>> -> memref<128x384xf32, #tpu.memory_space<hbm>>
      tpu.enqueue_dma source(%arg8 : memref<128x384xf32, #tpu.memory_space<vmem>>) target(%dma_start3A_76 : memref<128x384xf32, #tpu.memory_space<hbm>>) target_semaphore(%run_scoped3A : memref<!tpu.dma_semaphore, #tpu.memory_space<semaphore_mem>>)
      %dma_wait3A_77 = arith.constant 0 : i32
      %dma_wait3A_78 = tpu.memref_slice %arg6[%add3A_52, %dma_wait3A_77] : memref<32768x384xf32, #tpu.memory_space<hbm>> -> memref<128x384xf32, #tpu.memory_space<hbm>>
      %dma_wait3A_79 = arith.constant 0 : i32
      %dma_wait3A_80 = tpu.memref_slice %arg6[%add3A_52, %dma_wait3A_79] : memref<32768x384xf32, #tpu.memory_space<hbm>> -> memref<128x384xf32, #tpu.memory_space<hbm>>
      tpu.wait_dma2 semaphore(%run_scoped3A : memref<!tpu.dma_semaphore, #tpu.memory_space<semaphore_mem>>) src(%arg8 : memref<128x384xf32, #tpu.memory_space<vmem>>) dst(%dma_wait3A_80 : memref<128x384xf32, #tpu.memory_space<hbm>>)
      tpu.yield
    }) : () -> ()
    %add3A_53 = arith.constant 256 : i32
    %add3A_54 = arith.addi %mul3A_2, %add3A_53 : i32
    "tpu.region"() ({
      %run_scoped3A = tpu.sem_alloc : memref<!tpu.dma_semaphore, #tpu.memory_space<semaphore_mem>>
      %dma_start3A_73 = tpu.memref_slice %arg5[%add3A_54] : memref<16384xi32, #tpu.memory_space<hbm>> -> memref<128xi32, #tpu.memory_space<hbm>>
      %dma_start3A_74 = tpu.memref_slice %arg5[%add3A_54] : memref<16384xi32, #tpu.memory_space<hbm>> -> memref<128xi32, #tpu.memory_space<hbm>>
      tpu.enqueue_dma source(%dma_start3A_74 : memref<128xi32, #tpu.memory_space<hbm>>) target(%arg7 : memref<128xi32, #tpu.memory_space<vmem>>) target_semaphore(%run_scoped3A : memref<!tpu.dma_semaphore, #tpu.memory_space<semaphore_mem>>)
      %dma_wait3A_75 = tpu.memref_slice %arg5[%add3A_54] : memref<16384xi32, #tpu.memory_space<hbm>> -> memref<128xi32, #tpu.memory_space<hbm>>
      %dma_wait3A_76 = tpu.memref_slice %arg5[%add3A_54] : memref<16384xi32, #tpu.memory_space<hbm>> -> memref<128xi32, #tpu.memory_space<hbm>>
      tpu.wait_dma2 semaphore(%run_scoped3A : memref<!tpu.dma_semaphore, #tpu.memory_space<semaphore_mem>>) src(%dma_wait3A_76 : memref<128xi32, #tpu.memory_space<hbm>>) dst(%arg7 : memref<128xi32, #tpu.memory_space<vmem>>)
      tpu.yield
    }) : () -> ()
    %dma_start3A_55 = arith.constant 0 : i32
    %dma_start3A_56 = arith.constant 0 : i32
    %dma_start3A_57 = tpu.memref_slice %arg3[%dma_start3A_55, %dma_start3A_56] : memref<100000x384xf32, #tpu.memory_space<hbm>> -> memref<100000x384xf32, #tpu.memory_space<hbm>>
    tpu.enqueue_indirect_dma source(%dma_start3A_57 : memref<100000x384xf32, #tpu.memory_space<hbm>>) target(%arg8 : memref<128x384xf32, #tpu.memory_space<vmem>>) offsets(%arg7 : memref<128xi32, #tpu.memory_space<vmem>>) semaphore(%arg9 : memref<!tpu.dma_semaphore, #tpu.memory_space<semaphore_mem>>)
    %dma_wait3A_58 = arith.constant 0 : i32
    %dma_wait3A_59 = arith.constant 0 : i32
    %dma_wait3A_60 = tpu.memref_slice %arg3[%dma_wait3A_58, %dma_wait3A_59] : memref<100000x384xf32, #tpu.memory_space<hbm>> -> memref<100000x384xf32, #tpu.memory_space<hbm>>
    tpu.wait_indirect_dma semaphore(%arg9 : memref<!tpu.dma_semaphore, #tpu.memory_space<semaphore_mem>>) src(%dma_wait3A_60 : memref<100000x384xf32, #tpu.memory_space<hbm>>) dst(%arg8 : memref<128x384xf32, #tpu.memory_space<vmem>>)
    %add3A_61 = arith.constant 16384 : i32
    %add3A_62 = arith.addi %add3A_61, %add3A_54 : i32
    "tpu.region"() ({
      %run_scoped3A = tpu.sem_alloc : memref<!tpu.dma_semaphore, #tpu.memory_space<semaphore_mem>>
      %dma_start3A_73 = arith.constant 0 : i32
      %dma_start3A_74 = tpu.memref_slice %arg6[%add3A_62, %dma_start3A_73] : memref<32768x384xf32, #tpu.memory_space<hbm>> -> memref<128x384xf32, #tpu.memory_space<hbm>>
      %dma_start3A_75 = arith.constant 0 : i32
      %dma_start3A_76 = tpu.memref_slice %arg6[%add3A_62, %dma_start3A_75] : memref<32768x384xf32, #tpu.memory_space<hbm>> -> memref<128x384xf32, #tpu.memory_space<hbm>>
      tpu.enqueue_dma source(%arg8 : memref<128x384xf32, #tpu.memory_space<vmem>>) target(%dma_start3A_76 : memref<128x384xf32, #tpu.memory_space<hbm>>) target_semaphore(%run_scoped3A : memref<!tpu.dma_semaphore, #tpu.memory_space<semaphore_mem>>)
      %dma_wait3A_77 = arith.constant 0 : i32
      %dma_wait3A_78 = tpu.memref_slice %arg6[%add3A_62, %dma_wait3A_77] : memref<32768x384xf32, #tpu.memory_space<hbm>> -> memref<128x384xf32, #tpu.memory_space<hbm>>
      %dma_wait3A_79 = arith.constant 0 : i32
      %dma_wait3A_80 = tpu.memref_slice %arg6[%add3A_62, %dma_wait3A_79] : memref<32768x384xf32, #tpu.memory_space<hbm>> -> memref<128x384xf32, #tpu.memory_space<hbm>>
      tpu.wait_dma2 semaphore(%run_scoped3A : memref<!tpu.dma_semaphore, #tpu.memory_space<semaphore_mem>>) src(%arg8 : memref<128x384xf32, #tpu.memory_space<vmem>>) dst(%dma_wait3A_80 : memref<128x384xf32, #tpu.memory_space<hbm>>)
      tpu.yield
    }) : () -> ()
    %add3A_63 = arith.constant 384 : i32
    %add3A_64 = arith.addi %mul3A_2, %add3A_63 : i32
    "tpu.region"() ({
      %run_scoped3A = tpu.sem_alloc : memref<!tpu.dma_semaphore, #tpu.memory_space<semaphore_mem>>
      %dma_start3A_73 = tpu.memref_slice %arg5[%add3A_64] : memref<16384xi32, #tpu.memory_space<hbm>> -> memref<128xi32, #tpu.memory_space<hbm>>
      %dma_start3A_74 = tpu.memref_slice %arg5[%add3A_64] : memref<16384xi32, #tpu.memory_space<hbm>> -> memref<128xi32, #tpu.memory_space<hbm>>
      tpu.enqueue_dma source(%dma_start3A_74 : memref<128xi32, #tpu.memory_space<hbm>>) target(%arg7 : memref<128xi32, #tpu.memory_space<vmem>>) target_semaphore(%run_scoped3A : memref<!tpu.dma_semaphore, #tpu.memory_space<semaphore_mem>>)
      %dma_wait3A_75 = tpu.memref_slice %arg5[%add3A_64] : memref<16384xi32, #tpu.memory_space<hbm>> -> memref<128xi32, #tpu.memory_space<hbm>>
      %dma_wait3A_76 = tpu.memref_slice %arg5[%add3A_64] : memref<16384xi32, #tpu.memory_space<hbm>> -> memref<128xi32, #tpu.memory_space<hbm>>
      tpu.wait_dma2 semaphore(%run_scoped3A : memref<!tpu.dma_semaphore, #tpu.memory_space<semaphore_mem>>) src(%dma_wait3A_76 : memref<128xi32, #tpu.memory_space<hbm>>) dst(%arg7 : memref<128xi32, #tpu.memory_space<vmem>>)
      tpu.yield
    }) : () -> ()
    %dma_start3A_65 = arith.constant 0 : i32
    %dma_start3A_66 = arith.constant 0 : i32
    %dma_start3A_67 = tpu.memref_slice %arg3[%dma_start3A_65, %dma_start3A_66] : memref<100000x384xf32, #tpu.memory_space<hbm>> -> memref<100000x384xf32, #tpu.memory_space<hbm>>
    tpu.enqueue_indirect_dma source(%dma_start3A_67 : memref<100000x384xf32, #tpu.memory_space<hbm>>) target(%arg8 : memref<128x384xf32, #tpu.memory_space<vmem>>) offsets(%arg7 : memref<128xi32, #tpu.memory_space<vmem>>) semaphore(%arg9 : memref<!tpu.dma_semaphore, #tpu.memory_space<semaphore_mem>>)
    %dma_wait3A_68 = arith.constant 0 : i32
    %dma_wait3A_69 = arith.constant 0 : i32
    %dma_wait3A_70 = tpu.memref_slice %arg3[%dma_wait3A_68, %dma_wait3A_69] : memref<100000x384xf32, #tpu.memory_space<hbm>> -> memref<100000x384xf32, #tpu.memory_space<hbm>>
    tpu.wait_indirect_dma semaphore(%arg9 : memref<!tpu.dma_semaphore, #tpu.memory_space<semaphore_mem>>) src(%dma_wait3A_70 : memref<100000x384xf32, #tpu.memory_space<hbm>>) dst(%arg8 : memref<128x384xf32, #tpu.memory_space<vmem>>)
    %add3A_71 = arith.constant 16384 : i32
    %add3A_72 = arith.addi %add3A_71, %add3A_64 : i32
    "tpu.region"() ({
      %run_scoped3A = tpu.sem_alloc : memref<!tpu.dma_semaphore, #tpu.memory_space<semaphore_mem>>
      %dma_start3A_73 = arith.constant 0 : i32
      %dma_start3A_74 = tpu.memref_slice %arg6[%add3A_72, %dma_start3A_73] : memref<32768x384xf32, #tpu.memory_space<hbm>> -> memref<128x384xf32, #tpu.memory_space<hbm>>
      %dma_start3A_75 = arith.constant 0 : i32
      %dma_start3A_76 = tpu.memref_slice %arg6[%add3A_72, %dma_start3A_75] : memref<32768x384xf32, #tpu.memory_space<hbm>> -> memref<128x384xf32, #tpu.memory_space<hbm>>
      tpu.enqueue_dma source(%arg8 : memref<128x384xf32, #tpu.memory_space<vmem>>) target(%dma_start3A_76 : memref<128x384xf32, #tpu.memory_space<hbm>>) target_semaphore(%run_scoped3A : memref<!tpu.dma_semaphore, #tpu.memory_space<semaphore_mem>>)
      %dma_wait3A_77 = arith.constant 0 : i32
      %dma_wait3A_78 = tpu.memref_slice %arg6[%add3A_72, %dma_wait3A_77] : memref<32768x384xf32, #tpu.memory_space<hbm>> -> memref<128x384xf32, #tpu.memory_space<hbm>>
      %dma_wait3A_79 = arith.constant 0 : i32
      %dma_wait3A_80 = tpu.memref_slice %arg6[%add3A_72, %dma_wait3A_79] : memref<32768x384xf32, #tpu.memory_space<hbm>> -> memref<128x384xf32, #tpu.memory_space<hbm>>
      tpu.wait_dma2 semaphore(%run_scoped3A : memref<!tpu.dma_semaphore, #tpu.memory_space<semaphore_mem>>) src(%arg8 : memref<128x384xf32, #tpu.memory_space<vmem>>) dst(%dma_wait3A_80 : memref<128x384xf32, #tpu.memory_space<hbm>>)
      tpu.yield
    }) : () -> ()
    return
  }
}

module attributes {stable_mosaic.version = 14 : i64} {
  func.func @_tc_body(%arg0: i32, %arg1: memref<512x384xf32, #tpu.memory_space<vmem>>, %arg2: memref<384x300xf32, #tpu.memory_space<vmem>>, %arg3: memref<1x300xf32, #tpu.memory_space<vmem>>, %arg4: memref<300x300xf32, #tpu.memory_space<vmem>>, %arg5: memref<512x300xf32, #tpu.memory_space<vmem>>) attributes {dimension_semantics = [#tpu.dimension_semantics<arbitrary>], iteration_bounds = array<i64: 64>, scalar_prefetch = 0 : i64, scratch_operands = 0 : i64, tpu.core_type = #tpu.core_type<tc>, window_params = [{transform_indices = @transform_0, window_bounds = array<i64: 512, 384>}, {pipeline_mode = #tpu.pipeline_mode<synchronous>, transform_indices = @transform_1, window_bounds = array<i64: 384, 300>}, {pipeline_mode = #tpu.pipeline_mode<synchronous>, transform_indices = @transform_2, window_bounds = array<i64: 1, 300>}, {pipeline_mode = #tpu.pipeline_mode<synchronous>, transform_indices = @transform_3, window_bounds = array<i64: 300, 300>}, {transform_indices = @transform_4, window_bounds = array<i64: 512, 300>}]} {
    %lt3A = arith.constant 32 : i32
    %lt3A_0 = arith.cmpi slt, %arg0, %lt3A : i32
    %convert_element_type3A = arith.extui %lt3A_0 : i1 to i32
    %cond3A = arith.constant 0 : i32
    %cond3A_1 = arith.cmpi ne, %convert_element_type3A, %cond3A : i32
    scf.if %cond3A_1 {
      %get3A = arith.constant 0 : index
      %get3A_6 = arith.constant 0 : index
      %get3A_7 = vector.load %arg1[%get3A, %get3A_6] : memref<512x384xf32, #tpu.memory_space<vmem>>, vector<512x384xf32>
      %get3A_8 = arith.constant 0 : index
      %get3A_9 = arith.constant 0 : index
      %get3A_10 = vector.load %arg2[%get3A_8, %get3A_9] : memref<384x300xf32, #tpu.memory_space<vmem>>, vector<384x300xf32>
      %dot_general3A = arith.constant dense<0.000000e+00> : vector<512x300xf32>
      %dot_general3A_11 = tpu.matmul %get3A_7, %get3A_10, %dot_general3A {dimension_numbers = #tpu.dot_dimension_numbers<[1], [0], [0], [1], [0, 0, 1, 1], [], []>, transpose_lhs_hint = false} : vector<512x384xf32>, vector<384x300xf32>, vector<512x300xf32> -> vector<512x300xf32>
      %get3A_12 = arith.constant 0 : index
      %get3A_13 = arith.constant 0 : index
      %get3A_14 = vector.load %arg3[%get3A_12, %get3A_13] : memref<1x300xf32, #tpu.memory_space<vmem>>, vector<1x300xf32>
      %add3A = vector.broadcast %get3A_14 : vector<1x300xf32> to vector<512x300xf32>
      %add3A_15 = arith.addf %dot_general3A_11, %add3A : vector<512x300xf32>
      %get3A_16 = arith.constant 0 : index
      %get3A_17 = arith.constant 0 : index
      %get3A_18 = vector.load %arg4[%get3A_16, %get3A_17] : memref<300x300xf32, #tpu.memory_space<vmem>>, vector<300x300xf32>
      %dot_general3A_19 = arith.constant dense<0.000000e+00> : vector<512x300xf32>
      %dot_general3A_20 = tpu.matmul %add3A_15, %get3A_18, %dot_general3A_19 {dimension_numbers = #tpu.dot_dimension_numbers<[1], [0], [0], [1], [0, 0, 1, 1], [], []>, transpose_lhs_hint = false} : vector<512x300xf32>, vector<300x300xf32>, vector<512x300xf32> -> vector<512x300xf32>
      %swap3A = arith.constant 0 : index
      %swap3A_21 = arith.constant 0 : index
      %swap3A_22 = vector.load %arg5[%swap3A, %swap3A_21] : memref<512x300xf32, #tpu.memory_space<vmem>>, vector<512x300xf32>
      tpu.vector_store %arg5[%swap3A, %swap3A_21], %dot_general3A_20 {strides = array<i32>} : memref<512x300xf32, #tpu.memory_space<vmem>>, vector<512x300xf32>,
    } else {
    }
    %ge3A = arith.constant 32 : i32
    %ge3A_2 = arith.cmpi sge, %arg0, %ge3A : i32
    %convert_element_type3A_3 = arith.extui %ge3A_2 : i1 to i32
    %cond3A_4 = arith.constant 0 : i32
    %cond3A_5 = arith.cmpi ne, %convert_element_type3A_3, %cond3A_4 : i32
    scf.if %cond3A_5 {
      %get3A = arith.constant 0 : index
      %get3A_6 = arith.constant 0 : index
      %get3A_7 = vector.load %arg1[%get3A, %get3A_6] : memref<512x384xf32, #tpu.memory_space<vmem>>, vector<512x384xf32>
      %slice3A = vector.extract_strided_slice %get3A_7 {offsets = [0, 0], sizes = [512, 300], strides = [1, 1]} : vector<512x384xf32> to vector<512x300xf32>
      %swap3A = arith.constant 0 : index
      %swap3A_8 = arith.constant 0 : index
      %swap3A_9 = vector.load %arg5[%swap3A, %swap3A_8] : memref<512x300xf32, #tpu.memory_space<vmem>>, vector<512x300xf32>
      tpu.vector_store %arg5[%swap3A, %swap3A_8], %slice3A {strides = array<i32>} : memref<512x300xf32, #tpu.memory_space<vmem>>, vector<512x300xf32>,
    } else {
    }
    return
  }
  func.func @transform_0(%arg0: i32) -> (i32, i32) {
    %c0_i32 = arith.constant 0 : i32
    %c0_i32_0 = arith.constant 0 : i32
    return %arg0, %c0_i32 : i32, i32
  }
  func.func @transform_1(%arg0: i32) -> (i32, i32) {
    %c0_i32 = arith.constant 0 : i32
    %c0_i32_0 = arith.constant 0 : i32
    %c0_i32_1 = arith.constant 0 : i32
    return %c0_i32, %c0_i32_0 : i32, i32
  }
  func.func @transform_2(%arg0: i32) -> (i32, i32) {
    %c0_i32 = arith.constant 0 : i32
    %c0_i32_0 = arith.constant 0 : i32
    %c0_i32_1 = arith.constant 0 : i32
    return %c0_i32, %c0_i32_0 : i32, i32
  }
  func.func @transform_3(%arg0: i32) -> (i32, i32) {
    %c0_i32 = arith.constant 0 : i32
    %c0_i32_0 = arith.constant 0 : i32
    %c0_i32_1 = arith.constant 0 : i32
    return %c0_i32, %c0_i32_0 : i32, i32
  }
  func.func @transform_4(%arg0: i32) -> (i32, i32) {
    %c0_i32 = arith.constant 0 : i32
    %c0_i32_0 = arith.constant 0 : i32
    return %arg0, %c0_i32 : i32, i32
  }
}

</mosaic_0001>

<sc_bundles>
// kernel: kernel.4.cloned.1.call-start
scs
__scs_entry_jumppad:
0x0: {  	(pc) =	sbr.rel $0x88, $3  }
0x1: {  	(tag) =	ssettag $0x0;
	lr =	simm.s32 $0x1  }
0x2: {  	[smem:$0x3F9A] =	sst lr;
	_ =	strace $0xD0000000  }
0x3: {  	_ = 	snop  }
0x4: {  	_ = 	snop  }
0x5: {  	_ = 	snop  }
0x6: {  	_ = 	snop  }
0x7: {  	_ = 	snop  }
__scs_overlays_trampoline_lowered:
0x8: {  	[smem:$0x3FA9] =	sst s0  }
0x9: {  	[smem:$0x3FAA] =	sst s1  }
0xa: {  	[smem:$0x3FAB] =	sst s2  }
0xb: {  	[smem:$0x3FAC] =	sst s3  }
0xc: {  	[smem:$0x3FAD] =	sst s4  }
0xd: {  	[smem:$0x3FAE] =	sst s5  }
0xe: {  	[smem:$0x3FAF] =	sst s6  }
0xf: {  	[smem:$0x3FB0] =	sst s7  }
0x10: {  	[smem:$0x3FB1] =	sst s8  }
0x11: {  	[smem:$0x3FB2] =	sst s9;
	s0 =	simm.s32 @!p0 $0x0  }
0x12: {  	s1 =	sld [smem:$0x3F98];
	s0 =	simm.s32 @p0 $0x1  }
0x13: {  	[smem:$0x3FB3] =	sst s0;
	s0 =	simm.s32 @!p1 $0x0  }
0x14: {  	s2 =	sld [smem:$0x3F97];
	s0 =	simm.s32 @p1 $0x1  }
0x15: {  	[smem:$0x3FB4] =	sst s0;
	s0 =	simm.s32 @!p2 $0x0  }
0x16: {  	s3 =	sld [smem:$0x3FDB];
	s0 =	simm.s32 @p2 $0x1  }
0x17: {  	s4 =	simm.s32 $0x1BF5;
	[smem:$0x3FB6] =	sst s0  }
0x18: {  	s0 =	sld [smem:$0x3F99];
	_ =	swait.ge [sflag:s4], $0x0  }
0x19: {  	s7 =	sld [smem:$0x3F9A]  }
0x1a: {  	s8 =	sadd.s32 $0xFFFFE003, lr  }
0x1b: {  	s9 =	sadd.s32 $0xFFFFFEF7, lr;
	s5 =	simm.s32 $0xFFFFFFFF;
	p2 =	slt.u32 s8, $0xFFFFF086  }
0x1c: {  	p1 =	slt.u32 s9, $0xF7A;
	s5 =	simm.s32 @!p2 $0x0  }
0x1d: {  	s5 =	simm.s32 @p1 $0x1;
	p0 =	seq.s32 s7, s2  }
0x1e: {  	s7 =	smul.u32 @!p0 $0xF7A, s2;
	p2 =	seq.s32 @!p0 s5, $0x0  }
0x1f: {  	s9 =	smul.u32 $0xF7A, s1;
	s8 =	simm.s32 @!p0 $0x1BF5;
	p2 =	por !p2, p0  }
0x20: {  	[sflag:s8] =	ssyncset.s32 @!p0 $0xFFFFF086;
	s6 =	sadd.s32 @!p0 s3, s7;
	s7 =	simm.s32 @!p0 $0x108  }
0x21: {  	s3 =	sadd.s32 s3, s9;
	s6 =	sadd.s32 @!p0 $0x88, s6;
	s7 =	simm.s32 @p2 $0x1082  }
0x22: {  	[simem:s7], [sflag:s8] =	dma.local @!p0 [hbm:s6], $0xF7A  }
0x23: {  	s9 =	sor.u32 $0xD0000000, s2;
	s6 =	simm.s32 $0x108;
	_ =	swait.ge @!p0 [sflag:s8], $0x0  }
0x24: {  	s3 =	sadd.s32 $0x88, s3;
	s6 =	simm.s32 @!p1 $0x1082;
	[sflag:s4] =	ssyncset.s32 $0xFFFFF086  }
0x25: {  	[simem:s6], [sflag:s4] =	dma.local [hbm:s3], $0xF7A  }
0x26: {  	[smem:$0x3F9A] =	sst s1;
	(tag) =	ssettag s2;
	_ =	strace s9  }
0x27: {  	s1 =	sld [smem:$0x3FAA]  }
0x28: {  	s2 =	sld [smem:$0x3FAB]  }
0x29: {  	s4 =	sld [smem:$0x3FAD]  }
0x2a: {  	p0 =	seq.s32 s5, $0x0;
	s5 =	sld [smem:$0x3FAE]  }
0x2b: {  	s6 =	sld [smem:$0x3FAF]  }
0x2c: {  	s7 =	sld [smem:$0x3FB0]  }
0x2d: {  	s3 =	simm.s32 $0x108;
	s8 =	sld [smem:$0x3FB1]  }
0x2e: {  	s3 =	simm.s32 @!p0 $0x1082;
	s9 =	sld [smem:$0x3FB2]  }
0x2f: {  	lr =	sadd.s32 s0, s3;
	s0 =	sld [smem:$0x3FA9]  }
0x30: {  	s3 =	sld [smem:$0x3FAC]  }
0x31: {  	[smem:$0x3FB5] =	sst s10  }
0x32: {  	s10 =	sld [smem:$0x3FB3];
	_ =	sdelay $0x3  }
0x33: {  	p0 =	seq.s32 s10, $0x1;
	s10 =	sld [smem:$0x3FB5];
	_ =	sdelay $0x3  }
0x34: {  	[smem:$0x3FB5] =	sst s10  }
0x35: {  	s10 =	sld [smem:$0x3FB4];
	_ =	sdelay $0x3  }
0x36: {  	p1 =	seq.s32 s10, $0x1;
	s10 =	sld [smem:$0x3FB5];
	_ =	sdelay $0x3  }
0x37: {  	[smem:$0x3FB5] =	sst s10  }
0x38: {  	s10 =	sld [smem:$0x3FB6]  }
0x39: {  	_ = 	snop;
	(pc) =	sbr.ind lr, $3  }
0x3a: {  	_ = 	snop  }
0x3b: {  	_ = 	snop  }
0x3c: {  	p2 =	seq.s32 s10, $0x1;
	s10 =	sld [smem:$0x3FB5]  }
0x3d: {  	_ =	shalt  }
0x3e: {  	_ =	shalt  }
0x3f: {  	_ =	shalt  }
0x40: {  	_ =	shalt  }
0x41: {  	_ =	shalt  }
0x42: {  	_ =	shalt  }
0x43: {  	_ =	shalt  }
0x44: {  	_ =	shalt  }
0x45: {  	_ =	shalt  }
0x46: {  	_ =	shalt  }
0x47: {  	_ =	shalt  }
0x48: {  	_ =	shalt  }
0x49: {  	_ =	shalt  }
0x4a: {  	_ =	shalt  }
0x4b: {  	_ =	shalt  }
0x4c: {  	_ =	shalt  }
0x4d: {  	_ =	shalt  }
0x4e: {  	_ =	shalt  }
0x4f: {  	_ =	shalt  }
0x50: {  	_ =	shalt  }
0x51: {  	_ =	shalt  }
0x52: {  	_ =	shalt  }
0x53: {  	_ =	shalt  }
0x54: {  	_ =	shalt  }
0x55: {  	_ =	shalt  }
0x56: {  	_ =	shalt  }
0x57: {  	_ =	shalt  }
0x58: {  	_ =	shalt  }
0x59: {  	_ =	shalt  }
0x5a: {  	_ =	shalt  }
0x5b: {  	_ =	shalt  }
0x5c: {  	_ =	shalt  }
0x5d: {  	_ =	shalt  }
0x5e: {  	_ =	shalt  }
0x5f: {  	_ =	shalt  }
0x60: {  	_ =	shalt  }
0x61: {  	_ =	shalt  }
0x62: {  	_ =	shalt  }
0x63: {  	_ =	shalt  }
0x64: {  	_ =	shalt  }
0x65: {  	_ =	shalt  }
0x66: {  	_ =	shalt  }
0x67: {  	_ =	shalt  }
0x68: {  	_ =	shalt  }
0x69: {  	_ =	shalt  }
0x6a: {  	_ =	shalt  }
0x6b: {  	_ =	shalt  }
0x6c: {  	_ =	shalt  }
0x6d: {  	_ =	shalt  }
0x6e: {  	_ =	shalt  }
0x6f: {  	_ =	shalt  }
0x70: {  	_ =	shalt  }
0x71: {  	_ =	shalt  }
0x72: {  	_ =	shalt  }
0x73: {  	_ =	shalt  }
0x74: {  	_ =	shalt  }
0x75: {  	_ =	shalt  }
0x76: {  	_ =	shalt  }
0x77: {  	_ =	shalt  }
0x78: {  	_ =	shalt  }
0x79: {  	_ =	shalt  }
0x7a: {  	_ =	shalt  }
0x7b: {  	_ =	shalt  }
0x7c: {  	_ =	shalt  }
0x7d: {  	_ =	shalt  }
0x7e: {  	_ =	shalt  }
0x7f: {  	_ =	shalt  }
0x80: {  	_ =	shalt  }
0x81: {  	_ =	shalt  }
0x82: {  	_ =	shalt  }
0x83: {  	_ =	shalt  }
0x84: {  	_ =	shalt  }
0x85: {  	_ =	shalt  }
0x86: {  	_ =	shalt  }
0x87: {  	_ =	shalt  }
.Lfunc_end0:
.L_simem_size_0:
called_computation_lowered:
.L_overlay_start_0:
0x88: {  	s2 =	sld [smem:$0x3FD9]  }
0x89: {  	s3 =	sld [smem:$0x3FFE];
	_ =	sdelay $0x1  }
0x8a: {  	s1 =	srdreg.scid  }
0x8b: {  	s0 =	sand.u32 $0x1, s1  }
0x8c: {  	s17 =	sshll.u32 s0, $0xA;
	s2 =	sadd.s32 s3, s2  }
0x8d: {  	s2 =	sadd.s32 s2, s17  }
0x8e: {  	[smem:$0x3FC1] =	sst s2  }
0x8f: {  	_ = 	snop  }
0x90: {  	s2 =	sld [smem:$0x3FC4]  }
0x91: {  	s18 =	sld [smem:$0x3FC3];
	(tm) =	ssettm $0x1  }
0x92: {  	s4 =	sld [smem:$0x3FFB];
	_ =	sdelay $0x3  }
0x93: {  	_ =	strace s4  }
0x94: {  	s4 =	sld [smem:$0x3FFC];
	_ =	sdelay $0x3  }
0x95: {  	_ =	strace s4  }
0x96: {  	s4 =	sld [smem:$0x3FFD];
	_ =	sdelay $0x3  }
0x97: {  	_ =	strace s4  }
0x98: {  	_ =	strace $0x8FFFFFFF  }
0x99: {  	s19 =	sld [smem:$0x3FDB];
	_ =	sdelay $0x1  }
0x9a: {  	s5 =	simm.s32 $_scs_section_size  }
0x9b: {  	s6 =	simm.s32 $_size__tile_overlayer_lowered;
	s7 =	simm.s32 $_tile_overlayer_lowered  }
0x9c: {  	s22 =	simm.s32 $0x1BFF;
	s21 =	sshll.u32 s7, $0x1;
	s4 =	sadd.s32 s5, s19  }
0x9d: {  	s8 =	simm.s32 $0x0;
	s20 =	sshll.u32 s6, $0x1;
	s6 =	sadd.s32 s21, s4  }
0x9e: {  	[timem:s8], [sflag:s22] =	dma.local [hbm:s6], s20  }
0x9f: {  	_ =	swait.ge [sflag:s22], s20  }
0xa0: {  	s5 =	ssub.s32 $0x0, s20;
	[sflag:s22] =	ssyncset.done $0x0  }
0xa1: {  	[sflag:s22] =	ssyncadd.s32 s5;
	_ =	sdelay $0x1  }
0xa2: {  	s23 =	simm.s32 $0x1B8B  }
0xa3: {  	_ =	swait.ge [sflag:s23], $0x1  }
0xa4: {  	[sflag:s23] =	ssyncset.done $0x0  }
0xa5: {  	s25 =	simm.s32 $0x1B8E;
	s24 =	sld [smem:$0x3FFE];
	[sflag:s23] =	ssyncadd.s32 $0xFFFFFFFF  }
0xa6: {  	s26 =	simm.s32 $execute0_lowered;
	[smem:$0x3FD2] =	sst s25  }
0xa7: {  	s6 =	sshll.u32 s26, $0x1;
	_ =	strace $0x80000046;
	[dreg:$0x1] =	wrdreg $0xFFFFFFFF  }
0xa8: {  	s28 =	simm.s32 $_size_execute0_lowered;
	s4 =	sadd.s32 s4, s6;
	[dreg:$0x0] =	wrdreg $0x0  }
0xa9: {  	s6 =	sshll.u32 s28, $0x1;
	[dreg:$0x2] =	wrdreg s4  }
0xaa: {  	[dreg:$0x3] =	wrdreg s6  }
0xab: {  	[dreg:$0x4] =	wrdreg $0xC0  }
0xac: {  	_ =	task [dreg:s8], $0x5FFFF  }
0xad: {  	[dreg:$0x1] =	wrdreg $0xFFFFFFFF  }
0xae: {  	[dreg:$0x0] =	wrdreg $0x60  }
0xaf: {  	[dreg:$0x2] =	wrdreg s24  }
0xb0: {  	[dreg:$0x3] =	wrdreg s2  }
0xb1: {  	[dreg:$0x4] =	wrdreg s18  }
0xb2: {  	[dreg:$0x5] =	wrdreg $0x9  }
0xb3: {  	_ =	task.clear_ibuf [dreg:s8], $0x6FFFF;
	_ =	strace $0x90000046  }
0xb4: {  	s29 =	simm.s32 $0x9;
	_ =	strace $0x80000048  }
0xb5: {  	_ =	swait.ge [sflag:s29], $0x1  }
0xb6: {  	[sflag:s29] =	ssyncadd.s32 $0xFFFFFFFF  }
0xb7: {  	_ =	strace $0x90000048  }
0xb8: {  	_ =	sfence  }
0xb9: {  	s30 =	sld [smem:$0x0];
	_ =	sdelay $0x2  }
0xba: {  	s31 =	sshll.u32 s1, $0xD;
	s1 =	sshrl.u32 s1, $0x2  }
0xbb: {  	s3 =	sand.u32 $0x4000, s31;
	s1 =	sadd.s32 s1, s30  }
0xbc: {  	s0 =	sor.u32 s3, s0;
	s1 =	sshll.u32 s1, $0x11  }
0xbd: {  	s0 =	sor.u32 s1, s0  }
0xbe: {  	s0 =	sadd.s32 $0x8F2B, s0  }
0xbf: {  	[sflag:s0] =	ssyncadd.remote.s32 $0x1  }
0xc0: {  	_ =	sfence.sel $0xFFFF  }
0xc1: {  	[dreg:$0x0] =	wrdreg $0xFFFFFFFF;
	(pc) =	sbr.abs _section_cstart, $3  }
0xc2: {  	[dreg:$0x1] =	wrdreg $0xFFFFFFFF  }
0xc3: {  	_ =	task.clear_ibuf [dreg:s8], $0x2FFFF;
	_ =	strace $0x9FFFFFFF  }
0xc4: {  	(tm) =	ssettm $0x7FFFFFFF  }
0xc5: {  	_ =	shalt  }
tec
execute0_lowered:
.L_overlay_start_1:
0x0: {  	(tag) =	ssettag $0x1  }
0x1: {  	s0 =	rddreg [dreg:$0x0]  }
0x2: {  	s1 =	rddreg [dreg:$0x1];
	s2 =	srdreg.scid  }
0x3: {  	s3 =	rddreg [dreg:$0x2];
	s4 =	stileid.u32;
	s6 =	sand.u32 $0x1, s2  }
0x4: {  	s2 =	simm.s32 $0x0;
	s4 =	sshll.u32 s4, $0x7;
	s5 =	sshll.u32 s6, $0x6  }
0x5: {  	s31 =	sadd.s32 $0x494800, s0;
	[smem:$0x7FF] =	sst s2;
	s4 =	sor.u32 s5, s4  }
0x6: {  	s6 =	ssub.s32 $0x2, s6;
	_ =	strace $0x80000047;
	s8 =	sadd.s32 s1, s4  }
0x7: {  	s7 =	sor.u32 $0x10, s4;
	s21 =	sadd.s32 s3, s4;
	[dreg:$0x4] =	wrdreg s8  }
0x8: {  	s10 =	sor.u32 $0x20, s4;
	s13 =	sadd.s32 s1, s7;
	[dreg:$0xb] =	wrdreg s21  }
0x9: {  	s11 =	sor.u32 $0x30, s4;
	s16 =	sadd.s32 s1, s10;
	[dreg:$0x5] =	wrdreg s13  }
0xa: {  	s5 =	sadd.s32 $0xA00, s0;
	s1 =	sadd.s32 s1, s11;
	[dreg:$0x7] =	wrdreg s16  }
0xb: {  	s25 =	sshrl.u32 s6, $0x1;
	s23 =	sadd.s32 s3, s7;
	[dreg:$0x9] =	wrdreg s1  }
0xc: {  	s12 =	smul.u32 $0x180, s4;
	s26 =	sadd.s32 s3, s10;
	[dreg:$0xd] =	wrdreg s23  }
0xd: {  	s9 =	smul.u32 $0x180, s7;
	s30 =	sadd.s32 s3, s11;
	[dreg:$0xf] =	wrdreg s26  }
0xe: {  	s15 =	smul.u32 $0x180, s10;
	s20 =	sadd.s32 s31, s12;
	[dreg:$0x11] =	wrdreg s30  }
0xf: {  	s18 =	smul.u32 $0x180, s11;
	s14 =	sadd.s32 s31, s9;
	[dreg:$0x13] =	wrdreg s20  }
0x10: {  	s4 =	sadd.s32 $0x928600, s0;
	s17 =	sadd.s32 s31, s15;
	[dreg:$0x6] =	wrdreg s14  }
0x11: {  	s28 =	ssub.s32 s6, s25;
	s19 =	sadd.s32 s31, s18;
	[dreg:$0x8] =	wrdreg s17  }
0x12: {  	s6 =	sadd.s32 $0x928700, s0;
	s22 =	sadd.s32 $0xC0000, s20;
	[dreg:$0xa] =	wrdreg s19  }
0x13: {  	s7 =	sadd.s32 $0xB00, s0;
	s24 =	sadd.s32 $0xC1800, s20;
	[dreg:$0xc] =	wrdreg s22  }
0x14: {  	v2 =	vlaneseq.u32;
	s0 =	smax.u32 s28, $0x1;
	s29 =	sadd.s32 $0xC3000, s20;
	[dreg:$0xe] =	wrdreg s24  }
0x15: {  	vm0 =	vmmov $0xffff;
	vm1 =	vmmov $0xff;
	v1 =	vshrl.u32 v2, $0x3;
	s10 =	simm.s32 $0x80;
	s31 =	sadd.s32 $0xC4800, s20;
	[dreg:$0x10] =	wrdreg s29  }
0x16: {  	v0 =	vand.u32 $0x7, v2;
	v2 =	vor.u32 $0x8, v2;
	v1 =	vmul.u32 $0x8, v1;
	s9 =	simm.s32 $0x2;
	[dreg:$0x12] =	wrdreg s31;
	s19 =	simm.s32 $0x1  }
.LBB2_1:
0x17: {  	[dreg:$0x14] =	wrdreg s0  }
0x18: {  	s20 =	rddreg [dreg:$0x4]  }
0x19: {  	[tilespmem:s2], [sflag:$0x2] =	stream.linear.gather [hbm4b:s20+s2], $0x80, $0x38;
	[tilespmem:$0xC080] =	vst v63  }
0x1a: {  	_ =	swait.ge [sflag:s9], $0x80  }
0x1b: {  	[sflag:s9] =	ssyncset.done $0x0  }
0x1c: {  	[sflag:s9] =	ssyncadd.s32 $0xFFFFFF80  }
0x1d: {  	v3 =	vld [tilespmem:$0x0];
	_ =	sdelay $0x4  }
0x1e: {  	v4 =	vshrl.u32 v3, $0x3  }
0x1f: {  	v4 =	vmul.u32 $0x18, v4  }
0x20: {  	v3 =	vand.u32 $0x7, v3  }
0x21: {  	v3 =	vor.u32 v3, v4  }
0x22: {  	v4 =	vperm.xlane v3, v0;
	_ =	sdelay $0x1  }
0x23: {  	v4 =	vadd.s32 v1, v4;
	_ =	sdelay $0x1  }
0x24: {  	v3 =	vperm.xlane v3, v2;
	_ =	sdelay $0x1  }
0x25: {  	v3 =	vadd.s32 v1, v3  }
0x26: {  	[tilespmem:s10], [sflag:$0x1] =	stream.indirect_vreg.gather [hbm4b:s4+s2], $0x80, v4, vm0, $0xb8;
	[tilespmem:$0xC080] =	vst v63  }
0x27: {  	s31 =	simm.s32 $0x880  }
0x28: {  	[tilespmem:s31], [sflag:$0x1] =	stream.indirect_vreg.gather [hbm4b:s6+s2], $0x80, v4, vm1, $0xb8;
	[tilespmem:$0xC080] =	vst v63  }
0x29: {  	s1 =	simm.s32 $0xC80  }
0x2a: {  	[tilespmem:s1], [sflag:$0x1] =	stream.indirect_vreg.gather [hbm4b:s4+s2], $0x80, v3, vm0, $0xb8;
	[tilespmem:$0xC080] =	vst v63  }
0x2b: {  	s3 =	simm.s32 $0x1480  }
0x2c: {  	[tilespmem:s3], [sflag:$0x1] =	stream.indirect_vreg.gather [hbm4b:s6+s2], $0x80, v3, vm1, $0xb8;
	[tilespmem:$0xC080] =	vst v63  }
0x2d: {  	v3 =	vld [tilespmem:$0x10];
	_ =	sdelay $0x4  }
0x2e: {  	v57 =	vshrl.u32 v3, $0x3  }
0x2f: {  	v4 =	vmul.u32 $0x18, v57  }
0x30: {  	v3 =	vand.u32 $0x7, v3  }
0x31: {  	v3 =	vor.u32 v3, v4  }
0x32: {  	v4 =	vperm.xlane v3, v0;
	_ =	sdelay $0x1  }
0x33: {  	v4 =	vadd.s32 v1, v4;
	_ =	sdelay $0x1  }
0x34: {  	v3 =	vperm.xlane v3, v2;
	_ =	sdelay $0x1  }
0x35: {  	s8 =	simm.s32 $0x1880;
	v3 =	vadd.s32 v1, v3  }
0x36: {  	[tilespmem:s8], [sflag:$0x1] =	stream.indirect_vreg.gather [hbm4b:s4+s2], $0x80, v4, vm0, $0xb8;
	[tilespmem:$0xC080] =	vst v63  }
0x37: {  	s11 =	simm.s32 $0x2080  }
0x38: {  	[tilespmem:s11], [sflag:$0x1] =	stream.indirect_vreg.gather [hbm4b:s6+s2], $0x80, v4, vm1, $0xb8;
	[tilespmem:$0xC080] =	vst v63  }
0x39: {  	s12 =	simm.s32 $0x2480  }
0x3a: {  	[tilespmem:s12], [sflag:$0x1] =	stream.indirect_vreg.gather [hbm4b:s4+s2], $0x80, v3, vm0, $0xb8;
	[tilespmem:$0xC080] =	vst v63  }
0x3b: {  	s13 =	simm.s32 $0x2C80  }
0x3c: {  	[tilespmem:s13], [sflag:$0x1] =	stream.indirect_vreg.gather [hbm4b:s6+s2], $0x80, v3, vm1, $0xb8;
	[tilespmem:$0xC080] =	vst v63  }
0x3d: {  	v3 =	vld [tilespmem:$0x20];
	_ =	sdelay $0x4  }
0x3e: {  	v58 =	vshrl.u32 v3, $0x3  }
0x3f: {  	v4 =	vmul.u32 $0x18, v58  }
0x40: {  	v3 =	vand.u32 $0x7, v3  }
0x41: {  	v3 =	vor.u32 v3, v4  }
0x42: {  	v4 =	vperm.xlane v3, v0;
	_ =	sdelay $0x1  }
0x43: {  	v4 =	vadd.s32 v1, v4;
	_ =	sdelay $0x1  }
0x44: {  	v3 =	vperm.xlane v3, v2;
	_ =	sdelay $0x1  }
0x45: {  	s20 =	simm.s32 $0x3080;
	v3 =	vadd.s32 v1, v3  }
0x46: {  	[tilespmem:s20], [sflag:$0x1] =	stream.indirect_vreg.gather [hbm4b:s4+s2], $0x80, v4, vm0, $0xb8;
	[tilespmem:$0xC080] =	vst v63  }
0x47: {  	s21 =	simm.s32 $0x3880  }
0x48: {  	[tilespmem:s21], [sflag:$0x1] =	stream.indirect_vreg.gather [hbm4b:s6+s2], $0x80, v4, vm1, $0xb8;
	[tilespmem:$0xC080] =	vst v63  }
0x49: {  	s22 =	simm.s32 $0x3C80  }
0x4a: {  	[tilespmem:s22], [sflag:$0x1] =	stream.indirect_vreg.gather [hbm4b:s4+s2], $0x80, v3, vm0, $0xb8;
	[tilespmem:$0xC080] =	vst v63  }
0x4b: {  	s23 =	simm.s32 $0x4480  }
0x4c: {  	[tilespmem:s23], [sflag:$0x1] =	stream.indirect_vreg.gather [hbm4b:s6+s2], $0x80, v3, vm1, $0xb8;
	[tilespmem:$0xC080] =	vst v63  }
0x4d: {  	v3 =	vld [tilespmem:$0x30];
	_ =	sdelay $0x4  }
0x4e: {  	v59 =	vshrl.u32 v3, $0x3  }
0x4f: {  	v4 =	vmul.u32 $0x18, v59  }
0x50: {  	v3 =	vand.u32 $0x7, v3  }
0x51: {  	v3 =	vor.u32 v3, v4  }
0x52: {  	v4 =	vperm.xlane v3, v0;
	_ =	sdelay $0x1  }
0x53: {  	v4 =	vadd.s32 v1, v4;
	_ =	sdelay $0x1  }
0x54: {  	v3 =	vperm.xlane v3, v2;
	_ =	sdelay $0x1  }
0x55: {  	s24 =	simm.s32 $0x4880;
	v3 =	vadd.s32 v1, v3  }
0x56: {  	[tilespmem:s24], [sflag:$0x1] =	stream.indirect_vreg.gather [hbm4b:s4+s2], $0x80, v4, vm0, $0xb8;
	[tilespmem:$0xC080] =	vst v63  }
0x57: {  	s25 =	simm.s32 $0x5080  }
0x58: {  	[tilespmem:s25], [sflag:$0x1] =	stream.indirect_vreg.gather [hbm4b:s6+s2], $0x80, v4, vm1, $0xb8;
	[tilespmem:$0xC080] =	vst v63  }
0x59: {  	s26 =	simm.s32 $0x5480  }
0x5a: {  	[tilespmem:s26], [sflag:$0x1] =	stream.indirect_vreg.gather [hbm4b:s4+s2], $0x80, v3, vm0, $0xb8;
	[tilespmem:$0xC080] =	vst v63  }
0x5b: {  	s29 =	simm.s32 $0x5C80  }
0x5c: {  	[tilespmem:s29], [sflag:$0x1] =	stream.indirect_vreg.gather [hbm4b:s6+s2], $0x80, v3, vm1, $0xb8;
	[tilespmem:$0xC080] =	vst v63  }
0x5d: {  	v3 =	vld [tilespmem:$0x40];
	_ =	sdelay $0x4  }
0x5e: {  	v60 =	vshrl.u32 v3, $0x3  }
0x5f: {  	v4 =	vmul.u32 $0x18, v60  }
0x60: {  	v3 =	vand.u32 $0x7, v3  }
0x61: {  	v3 =	vor.u32 v3, v4  }
0x62: {  	v4 =	vperm.xlane v3, v0;
	_ =	sdelay $0x1  }
0x63: {  	v4 =	vadd.s32 v1, v4;
	_ =	sdelay $0x1  }
0x64: {  	v3 =	vperm.xlane v3, v2;
	_ =	sdelay $0x1  }
0x65: {  	s31 =	simm.s32 $0x6080;
	v3 =	vadd.s32 v1, v3  }
0x66: {  	[tilespmem:s31], [sflag:$0x1] =	stream.indirect_vreg.gather [hbm4b:s4+s2], $0x80, v4, vm0, $0xb8;
	[tilespmem:$0xC080] =	vst v63  }
0x67: {  	s1 =	simm.s32 $0x6880  }
0x68: {  	[tilespmem:s1], [sflag:$0x1] =	stream.indirect_vreg.gather [hbm4b:s6+s2], $0x80, v4, vm1, $0xb8;
	[tilespmem:$0xC080] =	vst v63  }
0x69: {  	s3 =	simm.s32 $0x6C80  }
0x6a: {  	[tilespmem:s3], [sflag:$0x1] =	stream.indirect_vreg.gather [hbm4b:s4+s2], $0x80, v3, vm0, $0xb8;
	[tilespmem:$0xC080] =	vst v63  }
0x6b: {  	s8 =	simm.s32 $0x7480  }
0x6c: {  	[tilespmem:s8], [sflag:$0x1] =	stream.indirect_vreg.gather [hbm4b:s6+s2], $0x80, v3, vm1, $0xb8;
	[tilespmem:$0xC080] =	vst v63  }
0x6d: {  	v3 =	vld [tilespmem:$0x50];
	_ =	sdelay $0x4  }
0x6e: {  	v61 =	vshrl.u32 v3, $0x3  }
0x6f: {  	v4 =	vmul.u32 $0x18, v61  }
0x70: {  	v3 =	vand.u32 $0x7, v3  }
0x71: {  	v3 =	vor.u32 v3, v4  }
0x72: {  	v4 =	vperm.xlane v3, v0;
	_ =	sdelay $0x1  }
0x73: {  	v4 =	vadd.s32 v1, v4;
	_ =	sdelay $0x1  }
0x74: {  	v3 =	vperm.xlane v3, v2;
	_ =	sdelay $0x1  }
0x75: {  	s11 =	simm.s32 $0x7880;
	v3 =	vadd.s32 v1, v3  }
0x76: {  	[tilespmem:s11], [sflag:$0x1] =	stream.indirect_vreg.gather [hbm4b:s4+s2], $0x80, v4, vm0, $0xb8;
	[tilespmem:$0xC080] =	vst v63  }
0x77: {  	s12 =	simm.s32 $0x8080  }
0x78: {  	[tilespmem:s12], [sflag:$0x1] =	stream.indirect_vreg.gather [hbm4b:s6+s2], $0x80, v4, vm1, $0xb8;
	[tilespmem:$0xC080] =	vst v63  }
0x79: {  	s13 =	simm.s32 $0x8480  }
0x7a: {  	[tilespmem:s13], [sflag:$0x1] =	stream.indirect_vreg.gather [hbm4b:s4+s2], $0x80, v3, vm0, $0xb8;
	[tilespmem:$0xC080] =	vst v63  }
0x7b: {  	s24 =	simm.s32 $0x8C80  }
0x7c: {  	[tilespmem:s24], [sflag:$0x1] =	stream.indirect_vreg.gather [hbm4b:s6+s2], $0x80, v3, vm1, $0xb8;
	[tilespmem:$0xC080] =	vst v63  }
0x7d: {  	v3 =	vld [tilespmem:$0x60];
	_ =	sdelay $0x4  }
0x7e: {  	v62 =	vshrl.u32 v3, $0x3  }
0x7f: {  	v4 =	vmul.u32 $0x18, v62  }
0x80: {  	v3 =	vand.u32 $0x7, v3  }
0x81: {  	v3 =	vor.u32 v3, v4  }
0x82: {  	v4 =	vperm.xlane v3, v0;
	_ =	sdelay $0x1  }
0x83: {  	v4 =	vadd.s32 v1, v4;
	_ =	sdelay $0x1  }
0x84: {  	v3 =	vperm.xlane v3, v2;
	_ =	sdelay $0x1  }
0x85: {  	s25 =	simm.s32 $0x9080;
	v3 =	vadd.s32 v1, v3  }
0x86: {  	[tilespmem:s25], [sflag:$0x1] =	stream.indirect_vreg.gather [hbm4b:s4+s2], $0x80, v4, vm0, $0xb8;
	[tilespmem:$0xC080] =	vst v63  }
0x87: {  	s26 =	simm.s32 $0x9880  }
0x88: {  	[tilespmem:s26], [sflag:$0x1] =	stream.indirect_vreg.gather [hbm4b:s6+s2], $0x80, v4, vm1, $0xb8;
	[tilespmem:$0xC080] =	vst v63  }
0x89: {  	s29 =	simm.s32 $0x9C80  }
0x8a: {  	[tilespmem:s29], [sflag:$0x1] =	stream.indirect_vreg.gather [hbm4b:s4+s2], $0x80, v3, vm0, $0xb8;
	[tilespmem:$0xC080] =	vst v63  }
0x8b: {  	s31 =	simm.s32 $0xA480  }
0x8c: {  	[tilespmem:s31], [sflag:$0x1] =	stream.indirect_vreg.gather [hbm4b:s6+s2], $0x80, v3, vm1, $0xb8;
	[tilespmem:$0xC080] =	vst v63  }
0x8d: {  	v3 =	vld [tilespmem:$0x70];
	_ =	sdelay $0x4  }
0x8e: {  	v63 =	vshrl.u32 v3, $0x3  }
0x8f: {  	v4 =	vmul.u32 $0x18, v63  }
0x90: {  	v3 =	vand.u32 $0x7, v3  }
0x91: {  	v3 =	vor.u32 v3, v4  }
0x92: {  	v4 =	vperm.xlane v3, v0;
	_ =	sdelay $0x1  }
0x93: {  	v4 =	vadd.s32 v1, v4;
	_ =	sdelay $0x1  }
0x94: {  	v3 =	vperm.xlane v3, v2;
	_ =	sdelay $0x1  }
0x95: {  	s11 =	simm.s32 $0xA880;
	v3 =	vadd.s32 v1, v3  }
0x96: {  	[tilespmem:s11], [sflag:$0x1] =	stream.indirect_vreg.gather [hbm4b:s4+s2], $0x80, v4, vm0, $0xb8;
	[tilespmem:$0xC080] =	vst v63  }
0x97: {  	s12 =	simm.s32 $0xB080  }
0x98: {  	[tilespmem:s12], [sflag:$0x1] =	stream.indirect_vreg.gather [hbm4b:s6+s2], $0x80, v4, vm1, $0xb8;
	[tilespmem:$0xC080] =	vst v63  }
0x99: {  	s13 =	simm.s32 $0xB480  }
0x9a: {  	[tilespmem:s13], [sflag:$0x1] =	stream.indirect_vreg.gather [hbm4b:s4+s2], $0x80, v3, vm0, $0xb8;
	[tilespmem:$0xC080] =	vst v63  }
0x9b: {  	s26 =	simm.s32 $0xBC80  }
0x9c: {  	[tilespmem:s26], [sflag:$0x1] =	stream.indirect_vreg.gather [hbm4b:s6+s2], $0x80, v3, vm1, $0xb8;
	[tilespmem:$0xC080] =	vst v63  }
0x9d: {  	_ =	swait.ge [sflag:s19], $0xC000  }
0x9e: {  	[sflag:s19] =	ssyncset.done $0x0  }
0x9f: {  	s29 =	rddreg [dreg:$0x13];
	[sflag:s19] =	ssyncadd.s32 $0xFFFF4000  }
0xa0: {  	[hbm4b:s29+s2] =	stream.linear.scatter [tilespmem:s10], [sflag:$0x2], $0xC000, $0x38;
	[tilespmem:$0xC080] =	vst v63  }
0xa1: {  	_ =	swait.ge [sflag:s9], $0xC000  }
0xa2: {  	[sflag:s9] =	ssyncset.done $0x0  }
0xa3: {  	s31 =	rddreg [dreg:$0x5];
	[sflag:s9] =	ssyncadd.s32 $0xFFFF4000  }
0xa4: {  	[tilespmem:s2], [sflag:$0x2] =	stream.linear.gather [hbm4b:s31+s2], $0x80, $0x38;
	[tilespmem:$0xC080] =	vst v63  }
0xa5: {  	_ =	swait.ge [sflag:s9], $0x80  }
0xa6: {  	[sflag:s9] =	ssyncset.done $0x0  }
0xa7: {  	[sflag:s9] =	ssyncadd.s32 $0xFFFFFF80  }
0xa8: {  	v3 =	vld [tilespmem:$0x0];
	_ =	sdelay $0x4  }
0xa9: {  	v8 =	vshrl.u32 v3, $0x3  }
0xaa: {  	v4 =	vmul.u32 $0x18, v8  }
0xab: {  	v3 =	vand.u32 $0x7, v3  }
0xac: {  	v3 =	vor.u32 v3, v4  }
0xad: {  	v4 =	vperm.xlane v3, v0;
	_ =	sdelay $0x1  }
0xae: {  	v4 =	vadd.s32 v1, v4;
	_ =	sdelay $0x1  }
0xaf: {  	v3 =	vperm.xlane v3, v2;
	_ =	sdelay $0x1  }
0xb0: {  	v3 =	vadd.s32 v1, v3  }
0xb1: {  	[tilespmem:s10], [sflag:$0x1] =	stream.indirect_vreg.gather [hbm4b:s4+s2], $0x80, v4, vm0, $0xb8;
	[tilespmem:$0xC080] =	vst v63  }
0xb2: {  	s14 =	simm.s32 $0x880  }
0xb3: {  	[tilespmem:s14], [sflag:$0x1] =	stream.indirect_vreg.gather [hbm4b:s6+s2], $0x80, v4, vm1, $0xb8;
	[tilespmem:$0xC080] =	vst v63  }
0xb4: {  	s15 =	simm.s32 $0xC80  }
0xb5: {  	[tilespmem:s15], [sflag:$0x1] =	stream.indirect_vreg.gather [hbm4b:s4+s2], $0x80, v3, vm0, $0xb8;
	[tilespmem:$0xC080] =	vst v63  }
0xb6: {  	s29 =	simm.s32 $0x1480  }
0xb7: {  	[tilespmem:s29], [sflag:$0x1] =	stream.indirect_vreg.gather [hbm4b:s6+s2], $0x80, v3, vm1, $0xb8;
	[tilespmem:$0xC080] =	vst v63  }
0xb8: {  	v3 =	vld [tilespmem:$0x10];
	_ =	sdelay $0x4  }
0xb9: {  	v9 =	vshrl.u32 v3, $0x3  }
0xba: {  	v4 =	vmul.u32 $0x18, v9  }
0xbb: {  	v3 =	vand.u32 $0x7, v3  }
0xbc: {  	v3 =	vor.u32 v3, v4  }
0xbd: {  	v4 =	vperm.xlane v3, v0;
	_ =	sdelay $0x1  }
0xbe: {  	v4 =	vadd.s32 v1, v4;
	_ =	sdelay $0x1  }
0xbf: {  	v3 =	vperm.xlane v3, v2;
	_ =	sdelay $0x1  }
0xc0: {  	s16 =	simm.s32 $0x1880;
	v3 =	vadd.s32 v1, v3  }
0xc1: {  	[tilespmem:s16], [sflag:$0x1] =	stream.indirect_vreg.gather [hbm4b:s4+s2], $0x80, v4, vm0, $0xb8;
	[tilespmem:$0xC080] =	vst v63  }
0xc2: {  	s17 =	simm.s32 $0x2080  }
0xc3: {  	[tilespmem:s17], [sflag:$0x1] =	stream.indirect_vreg.gather [hbm4b:s6+s2], $0x80, v4, vm1, $0xb8;
	[tilespmem:$0xC080] =	vst v63  }
0xc4: {  	s18 =	simm.s32 $0x2480  }
0xc5: {  	[tilespmem:s18], [sflag:$0x1] =	stream.indirect_vreg.gather [hbm4b:s4+s2], $0x80, v3, vm0, $0xb8;
	[tilespmem:$0xC080] =	vst v63  }
0xc6: {  	s30 =	simm.s32 $0x2C80  }
0xc7: {  	[tilespmem:s30], [sflag:$0x1] =	stream.indirect_vreg.gather [hbm4b:s6+s2], $0x80, v3, vm1, $0xb8;
	[tilespmem:$0xC080] =	vst v63  }
0xc8: {  	v3 =	vld [tilespmem:$0x20];
	_ =	sdelay $0x4  }
0xc9: {  	v10 =	vshrl.u32 v3, $0x3  }
0xca: {  	v4 =	vmul.u32 $0x18, v10  }
0xcb: {  	v3 =	vand.u32 $0x7, v3  }
0xcc: {  	v3 =	vor.u32 v3, v4  }
0xcd: {  	v4 =	vperm.xlane v3, v0;
	_ =	sdelay $0x1  }
0xce: {  	v4 =	vadd.s32 v1, v4;
	_ =	sdelay $0x1  }
0xcf: {  	v3 =	vperm.xlane v3, v2;
	_ =	sdelay $0x1  }
0xd0: {  	s28 =	simm.s32 $0x3080;
	v3 =	vadd.s32 v1, v3  }
0xd1: {  	[tilespmem:s28], [sflag:$0x1] =	stream.indirect_vreg.gather [hbm4b:s4+s2], $0x80, v4, vm0, $0xb8;
	[tilespmem:$0xC080] =	vst v63  }
0xd2: {  	s30 =	simm.s32 $0x3880  }
0xd3: {  	[tilespmem:s30], [sflag:$0x1] =	stream.indirect_vreg.gather [hbm4b:s6+s2], $0x80, v4, vm1, $0xb8;
	[tilespmem:$0xC080] =	vst v63  }
0xd4: {  	s31 =	simm.s32 $0x3C80  }
0xd5: {  	[tilespmem:s31], [sflag:$0x1] =	stream.indirect_vreg.gather [hbm4b:s4+s2], $0x80, v3, vm0, $0xb8;
	[tilespmem:$0xC080] =	vst v63  }
0xd6: {  	s21 =	simm.s32 $0x4480  }
0xd7: {  	[tilespmem:s21], [sflag:$0x1] =	stream.indirect_vreg.gather [hbm4b:s6+s2], $0x80, v3, vm1, $0xb8;
	[tilespmem:$0xC080] =	vst v63  }
0xd8: {  	v3 =	vld [tilespmem:$0x30];
	_ =	sdelay $0x4  }
0xd9: {  	v11 =	vshrl.u32 v3, $0x3  }
0xda: {  	v4 =	vmul.u32 $0x18, v11  }
0xdb: {  	v3 =	vand.u32 $0x7, v3  }
0xdc: {  	v3 =	vor.u32 v3, v4  }
0xdd: {  	v4 =	vperm.xlane v3, v0;
	_ =	sdelay $0x1  }
0xde: {  	v4 =	vadd.s32 v1, v4;
	_ =	sdelay $0x1  }
0xdf: {  	v3 =	vperm.xlane v3, v2;
	_ =	sdelay $0x1  }
0xe0: {  	s14 =	simm.s32 $0x4880;
	v3 =	vadd.s32 v1, v3  }
0xe1: {  	[tilespmem:s14], [sflag:$0x1] =	stream.indirect_vreg.gather [hbm4b:s4+s2], $0x80, v4, vm0, $0xb8;
	[tilespmem:$0xC080] =	vst v63  }
0xe2: {  	s15 =	simm.s32 $0x5080  }
0xe3: {  	[tilespmem:s15], [sflag:$0x1] =	stream.indirect_vreg.gather [hbm4b:s6+s2], $0x80, v4, vm1, $0xb8;
	[tilespmem:$0xC080] =	vst v63  }
0xe4: {  	s16 =	simm.s32 $0x5480  }
0xe5: {  	[tilespmem:s16], [sflag:$0x1] =	stream.indirect_vreg.gather [hbm4b:s4+s2], $0x80, v3, vm0, $0xb8;
	[tilespmem:$0xC080] =	vst v63  }
0xe6: {  	s22 =	simm.s32 $0x5C80  }
0xe7: {  	[tilespmem:s22], [sflag:$0x1] =	stream.indirect_vreg.gather [hbm4b:s6+s2], $0x80, v3, vm1, $0xb8;
	[tilespmem:$0xC080] =	vst v63  }
0xe8: {  	v3 =	vld [tilespmem:$0x40];
	_ =	sdelay $0x4  }
0xe9: {  	v12 =	vshrl.u32 v3, $0x3  }
0xea: {  	v4 =	vmul.u32 $0x18, v12  }
0xeb: {  	v3 =	vand.u32 $0x7, v3  }
0xec: {  	v3 =	vor.u32 v3, v4  }
0xed: {  	v4 =	vperm.xlane v3, v0;
	_ =	sdelay $0x1  }
0xee: {  	v4 =	vadd.s32 v1, v4;
	_ =	sdelay $0x1  }
0xef: {  	v3 =	vperm.xlane v3, v2;
	_ =	sdelay $0x1  }
0xf0: {  	s17 =	simm.s32 $0x6080;
	v3 =	vadd.s32 v1, v3  }
0xf1: {  	[tilespmem:s17], [sflag:$0x1] =	stream.indirect_vreg.gather [hbm4b:s4+s2], $0x80, v4, vm0, $0xb8;
	[tilespmem:$0xC080] =	vst v63  }
0xf2: {  	s18 =	simm.s32 $0x6880  }
0xf3: {  	[tilespmem:s18], [sflag:$0x1] =	stream.indirect_vreg.gather [hbm4b:s6+s2], $0x80, v4, vm1, $0xb8;
	[tilespmem:$0xC080] =	vst v63  }
0xf4: {  	s21 =	simm.s32 $0x6C80  }
0xf5: {  	[tilespmem:s21], [sflag:$0x1] =	stream.indirect_vreg.gather [hbm4b:s4+s2], $0x80, v3, vm0, $0xb8;
	[tilespmem:$0xC080] =	vst v63  }
0xf6: {  	s28 =	simm.s32 $0x7480  }
0xf7: {  	[tilespmem:s28], [sflag:$0x1] =	stream.indirect_vreg.gather [hbm4b:s6+s2], $0x80, v3, vm1, $0xb8;
	[tilespmem:$0xC080] =	vst v63  }
0xf8: {  	v3 =	vld [tilespmem:$0x50];
	_ =	sdelay $0x4  }
0xf9: {  	v13 =	vshrl.u32 v3, $0x3  }
0xfa: {  	v4 =	vmul.u32 $0x18, v13  }
0xfb: {  	v3 =	vand.u32 $0x7, v3  }
0xfc: {  	v3 =	vor.u32 v3, v4  }
0xfd: {  	v4 =	vperm.xlane v3, v0;
	_ =	sdelay $0x1  }
0xfe: {  	v4 =	vadd.s32 v1, v4;
	_ =	sdelay $0x1  }
0xff: {  	v3 =	vperm.xlane v3, v2;
	_ =	sdelay $0x1  }
0x100: {  	s22 =	simm.s32 $0x7880;
	v3 =	vadd.s32 v1, v3  }
0x101: {  	[tilespmem:s22], [sflag:$0x1] =	stream.indirect_vreg.gather [hbm4b:s4+s2], $0x80, v4, vm0, $0xb8;
	[tilespmem:$0xC080] =	vst v63  }
0x102: {  	s23 =	simm.s32 $0x8080  }
0x103: {  	[tilespmem:s23], [sflag:$0x1] =	stream.indirect_vreg.gather [hbm4b:s6+s2], $0x80, v4, vm1, $0xb8;
	[tilespmem:$0xC080] =	vst v63  }
0x104: {  	s0 =	simm.s32 $0x8480  }
0x105: {  	[tilespmem:s0], [sflag:$0x1] =	stream.indirect_vreg.gather [hbm4b:s4+s2], $0x80, v3, vm0, $0xb8;
	[tilespmem:$0xC080] =	vst v63  }
0x106: {  	s24 =	simm.s32 $0x8C80  }
0x107: {  	[tilespmem:s24], [sflag:$0x1] =	stream.indirect_vreg.gather [hbm4b:s6+s2], $0x80, v3, vm1, $0xb8;
	[tilespmem:$0xC080] =	vst v63  }
0x108: {  	v3 =	vld [tilespmem:$0x60];
	_ =	sdelay $0x4  }
0x109: {  	v14 =	vshrl.u32 v3, $0x3  }
0x10a: {  	v4 =	vmul.u32 $0x18, v14  }
0x10b: {  	v3 =	vand.u32 $0x7, v3  }
0x10c: {  	v3 =	vor.u32 v3, v4  }
0x10d: {  	v4 =	vperm.xlane v3, v0;
	_ =	sdelay $0x1  }
0x10e: {  	v4 =	vadd.s32 v1, v4;
	_ =	sdelay $0x1  }
0x10f: {  	v3 =	vperm.xlane v3, v2;
	_ =	sdelay $0x1  }
0x110: {  	s1 =	simm.s32 $0x9080;
	v3 =	vadd.s32 v1, v3  }
0x111: {  	[tilespmem:s1], [sflag:$0x1] =	stream.indirect_vreg.gather [hbm4b:s4+s2], $0x80, v4, vm0, $0xb8;
	[tilespmem:$0xC080] =	vst v63  }
0x112: {  	s3 =	simm.s32 $0x9880  }
0x113: {  	[tilespmem:s3], [sflag:$0x1] =	stream.indirect_vreg.gather [hbm4b:s6+s2], $0x80, v4, vm1, $0xb8;
	[tilespmem:$0xC080] =	vst v63  }
0x114: {  	s8 =	simm.s32 $0x9C80  }
0x115: {  	[tilespmem:s8], [sflag:$0x1] =	stream.indirect_vreg.gather [hbm4b:s4+s2], $0x80, v3, vm0, $0xb8;
	[tilespmem:$0xC080] =	vst v63  }
0x116: {  	s25 =	simm.s32 $0xA480  }
0x117: {  	[tilespmem:s25], [sflag:$0x1] =	stream.indirect_vreg.gather [hbm4b:s6+s2], $0x80, v3, vm1, $0xb8;
	[tilespmem:$0xC080] =	vst v63  }
0x118: {  	v3 =	vld [tilespmem:$0x70];
	_ =	sdelay $0x4  }
0x119: {  	v15 =	vshrl.u32 v3, $0x3  }
0x11a: {  	v4 =	vmul.u32 $0x18, v15  }
0x11b: {  	v3 =	vand.u32 $0x7, v3  }
0x11c: {  	v3 =	vor.u32 v3, v4  }
0x11d: {  	v4 =	vperm.xlane v3, v0;
	_ =	sdelay $0x1  }
0x11e: {  	v4 =	vadd.s32 v1, v4;
	_ =	sdelay $0x1  }
0x11f: {  	v3 =	vperm.xlane v3, v2;
	_ =	sdelay $0x1  }
0x120: {  	s11 =	simm.s32 $0xA880;
	v3 =	vadd.s32 v1, v3  }
0x121: {  	[tilespmem:s11], [sflag:$0x1] =	stream.indirect_vreg.gather [hbm4b:s4+s2], $0x80, v4, vm0, $0xb8;
	[tilespmem:$0xC080] =	vst v63  }
0x122: {  	s12 =	simm.s32 $0xB080  }
0x123: {  	[tilespmem:s12], [sflag:$0x1] =	stream.indirect_vreg.gather [hbm4b:s6+s2], $0x80, v4, vm1, $0xb8;
	[tilespmem:$0xC080] =	vst v63  }
0x124: {  	s13 =	simm.s32 $0xB480  }
0x125: {  	[tilespmem:s13], [sflag:$0x1] =	stream.indirect_vreg.gather [hbm4b:s4+s2], $0x80, v3, vm0, $0xb8;
	[tilespmem:$0xC080] =	vst v63  }
0x126: {  	s26 =	simm.s32 $0xBC80  }
0x127: {  	[tilespmem:s26], [sflag:$0x1] =	stream.indirect_vreg.gather [hbm4b:s6+s2], $0x80, v3, vm1, $0xb8;
	[tilespmem:$0xC080] =	vst v63  }
0x128: {  	_ =	swait.ge [sflag:s19], $0xC000  }
0x129: {  	[sflag:s19] =	ssyncset.done $0x0  }
0x12a: {  	s20 =	rddreg [dreg:$0x6];
	[sflag:s19] =	ssyncadd.s32 $0xFFFF4000  }
0x12b: {  	[hbm4b:s20+s2] =	stream.linear.scatter [tilespmem:s10], [sflag:$0x2], $0xC000, $0x38;
	[tilespmem:$0xC080] =	vst v63  }
0x12c: {  	_ =	swait.ge [sflag:s9], $0xC000  }
0x12d: {  	[sflag:s9] =	ssyncset.done $0x0  }
0x12e: {  	s20 =	rddreg [dreg:$0x7];
	[sflag:s9] =	ssyncadd.s32 $0xFFFF4000  }
0x12f: {  	[tilespmem:s2], [sflag:$0x2] =	stream.linear.gather [hbm4b:s20+s2], $0x80, $0x38;
	[tilespmem:$0xC080] =	vst v63  }
0x130: {  	_ =	swait.ge [sflag:s9], $0x80  }
0x131: {  	[sflag:s9] =	ssyncset.done $0x0  }
0x132: {  	[sflag:s9] =	ssyncadd.s32 $0xFFFFFF80  }
0x133: {  	v3 =	vld [tilespmem:$0x0];
	_ =	sdelay $0x4  }
0x134: {  	v16 =	vshrl.u32 v3, $0x3  }
0x135: {  	v4 =	vmul.u32 $0x18, v16  }
0x136: {  	v3 =	vand.u32 $0x7, v3  }
0x137: {  	v3 =	vor.u32 v3, v4  }
0x138: {  	v4 =	vperm.xlane v3, v0;
	_ =	sdelay $0x1  }
0x139: {  	v4 =	vadd.s32 v1, v4;
	_ =	sdelay $0x1  }
0x13a: {  	v3 =	vperm.xlane v3, v2;
	_ =	sdelay $0x1  }
0x13b: {  	v3 =	vadd.s32 v1, v3  }
0x13c: {  	[tilespmem:s10], [sflag:$0x1] =	stream.indirect_vreg.gather [hbm4b:s4+s2], $0x80, v4, vm0, $0xb8;
	[tilespmem:$0xC080] =	vst v63  }
0x13d: {  	s20 =	simm.s32 $0x880  }
0x13e: {  	[tilespmem:s20], [sflag:$0x1] =	stream.indirect_vreg.gather [hbm4b:s6+s2], $0x80, v4, vm1, $0xb8;
	[tilespmem:$0xC080] =	vst v63  }
0x13f: {  	s20 =	simm.s32 $0xC80  }
0x140: {  	[tilespmem:s20], [sflag:$0x1] =	stream.indirect_vreg.gather [hbm4b:s4+s2], $0x80, v3, vm0, $0xb8;
	[tilespmem:$0xC080] =	vst v63  }
0x141: {  	_ = 	snop  }
0x142: {  	[tilespmem:s29], [sflag:$0x1] =	stream.indirect_vreg.gather [hbm4b:s6+s2], $0x80, v3, vm1, $0xb8;
	[tilespmem:$0xC080] =	vst v63  }
0x143: {  	v3 =	vld [tilespmem:$0x10];
	_ =	sdelay $0x4  }
0x144: {  	v17 =	vshrl.u32 v3, $0x3  }
0x145: {  	v4 =	vmul.u32 $0x18, v17  }
0x146: {  	v3 =	vand.u32 $0x7, v3  }
0x147: {  	v3 =	vor.u32 v3, v4  }
0x148: {  	v4 =	vperm.xlane v3, v0;
	_ =	sdelay $0x1  }
0x149: {  	v4 =	vadd.s32 v1, v4;
	_ =	sdelay $0x1  }
0x14a: {  	v3 =	vperm.xlane v3, v2;
	_ =	sdelay $0x1  }
0x14b: {  	s20 =	simm.s32 $0x1880;
	v3 =	vadd.s32 v1, v3  }
0x14c: {  	[tilespmem:s20], [sflag:$0x1] =	stream.indirect_vreg.gather [hbm4b:s4+s2], $0x80, v4, vm0, $0xb8;
	[tilespmem:$0xC080] =	vst v63  }
0x14d: {  	s20 =	simm.s32 $0x2080  }
0x14e: {  	[tilespmem:s20], [sflag:$0x1] =	stream.indirect_vreg.gather [hbm4b:s6+s2], $0x80, v4, vm1, $0xb8;
	[tilespmem:$0xC080] =	vst v63  }
0x14f: {  	s20 =	simm.s32 $0x2480  }
0x150: {  	[tilespmem:s20], [sflag:$0x1] =	stream.indirect_vreg.gather [hbm4b:s4+s2], $0x80, v3, vm0, $0xb8;
	[tilespmem:$0xC080] =	vst v63  }
0x151: {  	s20 =	simm.s32 $0x2C80  }
0x152: {  	[tilespmem:s20], [sflag:$0x1] =	stream.indirect_vreg.gather [hbm4b:s6+s2], $0x80, v3, vm1, $0xb8;
	[tilespmem:$0xC080] =	vst v63  }
0x153: {  	v3 =	vld [tilespmem:$0x20];
	_ =	sdelay $0x4  }
0x154: {  	v18 =	vshrl.u32 v3, $0x3  }
0x155: {  	v4 =	vmul.u32 $0x18, v18  }
0x156: {  	v3 =	vand.u32 $0x7, v3  }
0x157: {  	v3 =	vor.u32 v3, v4  }
0x158: {  	v4 =	vperm.xlane v3, v0;
	_ =	sdelay $0x1  }
0x159: {  	v4 =	vadd.s32 v1, v4;
	_ =	sdelay $0x1  }
0x15a: {  	v3 =	vperm.xlane v3, v2;
	_ =	sdelay $0x1  }
0x15b: {  	s20 =	simm.s32 $0x3080;
	v3 =	vadd.s32 v1, v3  }
0x15c: {  	[tilespmem:s20], [sflag:$0x1] =	stream.indirect_vreg.gather [hbm4b:s4+s2], $0x80, v4, vm0, $0xb8;
	[tilespmem:$0xC080] =	vst v63  }
0x15d: {  	_ = 	snop  }
0x15e: {  	[tilespmem:s30], [sflag:$0x1] =	stream.indirect_vreg.gather [hbm4b:s6+s2], $0x80, v4, vm1, $0xb8;
	[tilespmem:$0xC080] =	vst v63  }
0x15f: {  	_ = 	snop  }
0x160: {  	[tilespmem:s31], [sflag:$0x1] =	stream.indirect_vreg.gather [hbm4b:s4+s2], $0x80, v3, vm0, $0xb8;
	[tilespmem:$0xC080] =	vst v63  }
0x161: {  	s20 =	simm.s32 $0x4480  }
0x162: {  	[tilespmem:s20], [sflag:$0x1] =	stream.indirect_vreg.gather [hbm4b:s6+s2], $0x80, v3, vm1, $0xb8;
	[tilespmem:$0xC080] =	vst v63  }
0x163: {  	v3 =	vld [tilespmem:$0x30];
	_ =	sdelay $0x4  }
0x164: {  	v19 =	vshrl.u32 v3, $0x3  }
0x165: {  	v4 =	vmul.u32 $0x18, v19  }
0x166: {  	v3 =	vand.u32 $0x7, v3  }
0x167: {  	v3 =	vor.u32 v3, v4  }
0x168: {  	v4 =	vperm.xlane v3, v0;
	_ =	sdelay $0x1  }
0x169: {  	v4 =	vadd.s32 v1, v4;
	_ =	sdelay $0x1  }
0x16a: {  	v3 =	vperm.xlane v3, v2;
	_ =	sdelay $0x1  }
0x16b: {  	v3 =	vadd.s32 v1, v3  }
0x16c: {  	[tilespmem:s14], [sflag:$0x1] =	stream.indirect_vreg.gather [hbm4b:s4+s2], $0x80, v4, vm0, $0xb8;
	[tilespmem:$0xC080] =	vst v63  }
0x16d: {  	_ = 	snop  }
0x16e: {  	[tilespmem:s15], [sflag:$0x1] =	stream.indirect_vreg.gather [hbm4b:s6+s2], $0x80, v4, vm1, $0xb8;
	[tilespmem:$0xC080] =	vst v63  }
0x16f: {  	_ = 	snop  }
0x170: {  	[tilespmem:s16], [sflag:$0x1] =	stream.indirect_vreg.gather [hbm4b:s4+s2], $0x80, v3, vm0, $0xb8;
	[tilespmem:$0xC080] =	vst v63  }
0x171: {  	s20 =	simm.s32 $0x5C80  }
0x172: {  	[tilespmem:s20], [sflag:$0x1] =	stream.indirect_vreg.gather [hbm4b:s6+s2], $0x80, v3, vm1, $0xb8;
	[tilespmem:$0xC080] =	vst v63  }
0x173: {  	v3 =	vld [tilespmem:$0x40];
	_ =	sdelay $0x4  }
0x174: {  	v20 =	vshrl.u32 v3, $0x3  }
0x175: {  	v4 =	vmul.u32 $0x18, v20  }
0x176: {  	v3 =	vand.u32 $0x7, v3  }
0x177: {  	v3 =	vor.u32 v3, v4  }
0x178: {  	v4 =	vperm.xlane v3, v0;
	_ =	sdelay $0x1  }
0x179: {  	v4 =	vadd.s32 v1, v4;
	_ =	sdelay $0x1  }
0x17a: {  	v3 =	vperm.xlane v3, v2;
	_ =	sdelay $0x1  }
0x17b: {  	v3 =	vadd.s32 v1, v3  }
0x17c: {  	[tilespmem:s17], [sflag:$0x1] =	stream.indirect_vreg.gather [hbm4b:s4+s2], $0x80, v4, vm0, $0xb8;
	[tilespmem:$0xC080] =	vst v63  }
0x17d: {  	_ = 	snop  }
0x17e: {  	[tilespmem:s18], [sflag:$0x1] =	stream.indirect_vreg.gather [hbm4b:s6+s2], $0x80, v4, vm1, $0xb8;
	[tilespmem:$0xC080] =	vst v63  }
0x17f: {  	_ = 	snop  }
0x180: {  	[tilespmem:s21], [sflag:$0x1] =	stream.indirect_vreg.gather [hbm4b:s4+s2], $0x80, v3, vm0, $0xb8;
	[tilespmem:$0xC080] =	vst v63  }
0x181: {  	_ = 	snop  }
0x182: {  	[tilespmem:s28], [sflag:$0x1] =	stream.indirect_vreg.gather [hbm4b:s6+s2], $0x80, v3, vm1, $0xb8;
	[tilespmem:$0xC080] =	vst v63  }
0x183: {  	v3 =	vld [tilespmem:$0x50];
	_ =	sdelay $0x4  }
0x184: {  	v21 =	vshrl.u32 v3, $0x3  }
0x185: {  	v4 =	vmul.u32 $0x18, v21  }
0x186: {  	v3 =	vand.u32 $0x7, v3  }
0x187: {  	v3 =	vor.u32 v3, v4  }
0x188: {  	v4 =	vperm.xlane v3, v0;
	_ =	sdelay $0x1  }
0x189: {  	v4 =	vadd.s32 v1, v4;
	_ =	sdelay $0x1  }
0x18a: {  	v3 =	vperm.xlane v3, v2;
	_ =	sdelay $0x1  }
0x18b: {  	v3 =	vadd.s32 v1, v3  }
0x18c: {  	[tilespmem:s22], [sflag:$0x1] =	stream.indirect_vreg.gather [hbm4b:s4+s2], $0x80, v4, vm0, $0xb8;
	[tilespmem:$0xC080] =	vst v63  }
0x18d: {  	s23 =	simm.s32 $0x8080  }
0x18e: {  	[tilespmem:s23], [sflag:$0x1] =	stream.indirect_vreg.gather [hbm4b:s6+s2], $0x80, v4, vm1, $0xb8;
	[tilespmem:$0xC080] =	vst v63  }
0x18f: {  	s0 =	simm.s32 $0x8480  }
0x190: {  	[tilespmem:s0], [sflag:$0x1] =	stream.indirect_vreg.gather [hbm4b:s4+s2], $0x80, v3, vm0, $0xb8;
	[tilespmem:$0xC080] =	vst v63  }
0x191: {  	s24 =	simm.s32 $0x8C80  }
0x192: {  	[tilespmem:s24], [sflag:$0x1] =	stream.indirect_vreg.gather [hbm4b:s6+s2], $0x80, v3, vm1, $0xb8;
	[tilespmem:$0xC080] =	vst v63  }
0x193: {  	v3 =	vld [tilespmem:$0x60];
	_ =	sdelay $0x4  }
0x194: {  	v22 =	vshrl.u32 v3, $0x3  }
0x195: {  	v4 =	vmul.u32 $0x18, v22  }
0x196: {  	v3 =	vand.u32 $0x7, v3  }
0x197: {  	v3 =	vor.u32 v3, v4  }
0x198: {  	v4 =	vperm.xlane v3, v0;
	_ =	sdelay $0x1  }
0x199: {  	v4 =	vadd.s32 v1, v4;
	_ =	sdelay $0x1  }
0x19a: {  	v3 =	vperm.xlane v3, v2;
	_ =	sdelay $0x1  }
0x19b: {  	s1 =	simm.s32 $0x9080;
	v3 =	vadd.s32 v1, v3  }
0x19c: {  	[tilespmem:s1], [sflag:$0x1] =	stream.indirect_vreg.gather [hbm4b:s4+s2], $0x80, v4, vm0, $0xb8;
	[tilespmem:$0xC080] =	vst v63  }
0x19d: {  	s3 =	simm.s32 $0x9880  }
0x19e: {  	[tilespmem:s3], [sflag:$0x1] =	stream.indirect_vreg.gather [hbm4b:s6+s2], $0x80, v4, vm1, $0xb8;
	[tilespmem:$0xC080] =	vst v63  }
0x19f: {  	s8 =	simm.s32 $0x9C80  }
0x1a0: {  	[tilespmem:s8], [sflag:$0x1] =	stream.indirect_vreg.gather [hbm4b:s4+s2], $0x80, v3, vm0, $0xb8;
	[tilespmem:$0xC080] =	vst v63  }
0x1a1: {  	s25 =	simm.s32 $0xA480  }
0x1a2: {  	[tilespmem:s25], [sflag:$0x1] =	stream.indirect_vreg.gather [hbm4b:s6+s2], $0x80, v3, vm1, $0xb8;
	[tilespmem:$0xC080] =	vst v63  }
0x1a3: {  	v3 =	vld [tilespmem:$0x70];
	_ =	sdelay $0x4  }
0x1a4: {  	v23 =	vshrl.u32 v3, $0x3  }
0x1a5: {  	v4 =	vmul.u32 $0x18, v23  }
0x1a6: {  	v3 =	vand.u32 $0x7, v3  }
0x1a7: {  	v3 =	vor.u32 v3, v4  }
0x1a8: {  	v4 =	vperm.xlane v3, v0;
	_ =	sdelay $0x1  }
0x1a9: {  	v4 =	vadd.s32 v1, v4;
	_ =	sdelay $0x1  }
0x1aa: {  	v3 =	vperm.xlane v3, v2;
	_ =	sdelay $0x1  }
0x1ab: {  	s11 =	simm.s32 $0xA880;
	v3 =	vadd.s32 v1, v3  }
0x1ac: {  	[tilespmem:s11], [sflag:$0x1] =	stream.indirect_vreg.gather [hbm4b:s4+s2], $0x80, v4, vm0, $0xb8;
	[tilespmem:$0xC080] =	vst v63  }
0x1ad: {  	s12 =	simm.s32 $0xB080  }
0x1ae: {  	[tilespmem:s12], [sflag:$0x1] =	stream.indirect_vreg.gather [hbm4b:s6+s2], $0x80, v4, vm1, $0xb8;
	[tilespmem:$0xC080] =	vst v63  }
0x1af: {  	s13 =	simm.s32 $0xB480  }
0x1b0: {  	[tilespmem:s13], [sflag:$0x1] =	stream.indirect_vreg.gather [hbm4b:s4+s2], $0x80, v3, vm0, $0xb8;
	[tilespmem:$0xC080] =	vst v63  }
0x1b1: {  	s26 =	simm.s32 $0xBC80  }
0x1b2: {  	[tilespmem:s26], [sflag:$0x1] =	stream.indirect_vreg.gather [hbm4b:s6+s2], $0x80, v3, vm1, $0xb8;
	[tilespmem:$0xC080] =	vst v63  }
0x1b3: {  	_ =	swait.ge [sflag:s19], $0xC000  }
0x1b4: {  	[sflag:s19] =	ssyncset.done $0x0  }
0x1b5: {  	s26 =	rddreg [dreg:$0x8];
	[sflag:s19] =	ssyncadd.s32 $0xFFFF4000  }
0x1b6: {  	[hbm4b:s26+s2] =	stream.linear.scatter [tilespmem:s10], [sflag:$0x2], $0xC000, $0x38;
	[tilespmem:$0xC080] =	vst v63  }
0x1b7: {  	_ =	swait.ge [sflag:s9], $0xC000  }
0x1b8: {  	[sflag:s9] =	ssyncset.done $0x0  }
0x1b9: {  	s26 =	rddreg [dreg:$0x9];
	[sflag:s9] =	ssyncadd.s32 $0xFFFF4000  }
0x1ba: {  	[tilespmem:s2], [sflag:$0x2] =	stream.linear.gather [hbm4b:s26+s2], $0x80, $0x38;
	[tilespmem:$0xC080] =	vst v63  }
0x1bb: {  	_ =	swait.ge [sflag:s9], $0x80  }
0x1bc: {  	[sflag:s9] =	ssyncset.done $0x0  }
0x1bd: {  	[sflag:s9] =	ssyncadd.s32 $0xFFFFFF80  }
0x1be: {  	v3 =	vld [tilespmem:$0x0];
	_ =	sdelay $0x4  }
0x1bf: {  	v24 =	vshrl.u32 v3, $0x3  }
0x1c0: {  	v4 =	vmul.u32 $0x18, v24  }
0x1c1: {  	v3 =	vand.u32 $0x7, v3  }
0x1c2: {  	v3 =	vor.u32 v3, v4  }
0x1c3: {  	v4 =	vperm.xlane v3, v0;
	_ =	sdelay $0x1  }
0x1c4: {  	v4 =	vadd.s32 v1, v4;
	_ =	sdelay $0x1  }
0x1c5: {  	v3 =	vperm.xlane v3, v2;
	_ =	sdelay $0x1  }
0x1c6: {  	v3 =	vadd.s32 v1, v3  }
0x1c7: {  	[tilespmem:s10], [sflag:$0x1] =	stream.indirect_vreg.gather [hbm4b:s4+s2], $0x80, v4, vm0, $0xb8;
	[tilespmem:$0xC080] =	vst v63  }
0x1c8: {  	s26 =	simm.s32 $0x880  }
0x1c9: {  	[tilespmem:s26], [sflag:$0x1] =	stream.indirect_vreg.gather [hbm4b:s6+s2], $0x80, v4, vm1, $0xb8;
	[tilespmem:$0xC080] =	vst v63  }
0x1ca: {  	s26 =	simm.s32 $0xC80  }
0x1cb: {  	[tilespmem:s26], [sflag:$0x1] =	stream.indirect_vreg.gather [hbm4b:s4+s2], $0x80, v3, vm0, $0xb8;
	[tilespmem:$0xC080] =	vst v63  }
0x1cc: {  	s29 =	simm.s32 $0x1480  }
0x1cd: {  	[tilespmem:s29], [sflag:$0x1] =	stream.indirect_vreg.gather [hbm4b:s6+s2], $0x80, v3, vm1, $0xb8;
	[tilespmem:$0xC080] =	vst v63  }
0x1ce: {  	v3 =	vld [tilespmem:$0x10];
	_ =	sdelay $0x4  }
0x1cf: {  	v25 =	vshrl.u32 v3, $0x3  }
0x1d0: {  	v4 =	vmul.u32 $0x18, v25  }
0x1d1: {  	v3 =	vand.u32 $0x7, v3  }
0x1d2: {  	v3 =	vor.u32 v3, v4  }
0x1d3: {  	v4 =	vperm.xlane v3, v0;
	_ =	sdelay $0x1  }
0x1d4: {  	v4 =	vadd.s32 v1, v4;
	_ =	sdelay $0x1  }
0x1d5: {  	v3 =	vperm.xlane v3, v2;
	_ =	sdelay $0x1  }
0x1d6: {  	s29 =	simm.s32 $0x1880;
	v3 =	vadd.s32 v1, v3  }
0x1d7: {  	[tilespmem:s29], [sflag:$0x1] =	stream.indirect_vreg.gather [hbm4b:s4+s2], $0x80, v4, vm0, $0xb8;
	[tilespmem:$0xC080] =	vst v63  }
0x1d8: {  	s29 =	simm.s32 $0x2080  }
0x1d9: {  	[tilespmem:s29], [sflag:$0x1] =	stream.indirect_vreg.gather [hbm4b:s6+s2], $0x80, v4, vm1, $0xb8;
	[tilespmem:$0xC080] =	vst v63  }
0x1da: {  	s29 =	simm.s32 $0x2480  }
0x1db: {  	[tilespmem:s29], [sflag:$0x1] =	stream.indirect_vreg.gather [hbm4b:s4+s2], $0x80, v3, vm0, $0xb8;
	[tilespmem:$0xC080] =	vst v63  }
0x1dc: {  	s29 =	simm.s32 $0x2C80  }
0x1dd: {  	[tilespmem:s29], [sflag:$0x1] =	stream.indirect_vreg.gather [hbm4b:s6+s2], $0x80, v3, vm1, $0xb8;
	[tilespmem:$0xC080] =	vst v63  }
0x1de: {  	v3 =	vld [tilespmem:$0x20];
	_ =	sdelay $0x4  }
0x1df: {  	v26 =	vshrl.u32 v3, $0x3  }
0x1e0: {  	v4 =	vmul.u32 $0x18, v26  }
0x1e1: {  	v3 =	vand.u32 $0x7, v3  }
0x1e2: {  	v3 =	vor.u32 v3, v4  }
0x1e3: {  	v4 =	vperm.xlane v3, v0;
	_ =	sdelay $0x1  }
0x1e4: {  	v4 =	vadd.s32 v1, v4;
	_ =	sdelay $0x1  }
0x1e5: {  	v3 =	vperm.xlane v3, v2;
	_ =	sdelay $0x1  }
0x1e6: {  	s29 =	simm.s32 $0x3080;
	v3 =	vadd.s32 v1, v3  }
0x1e7: {  	[tilespmem:s29], [sflag:$0x1] =	stream.indirect_vreg.gather [hbm4b:s4+s2], $0x80, v4, vm0, $0xb8;
	[tilespmem:$0xC080] =	vst v63  }
0x1e8: {  	s30 =	simm.s32 $0x3880  }
0x1e9: {  	[tilespmem:s30], [sflag:$0x1] =	stream.indirect_vreg.gather [hbm4b:s6+s2], $0x80, v4, vm1, $0xb8;
	[tilespmem:$0xC080] =	vst v63  }
0x1ea: {  	s31 =	simm.s32 $0x3C80  }
0x1eb: {  	[tilespmem:s31], [sflag:$0x1] =	stream.indirect_vreg.gather [hbm4b:s4+s2], $0x80, v3, vm0, $0xb8;
	[tilespmem:$0xC080] =	vst v63  }
0x1ec: {  	s29 =	simm.s32 $0x4480  }
0x1ed: {  	[tilespmem:s29], [sflag:$0x1] =	stream.indirect_vreg.gather [hbm4b:s6+s2], $0x80, v3, vm1, $0xb8;
	[tilespmem:$0xC080] =	vst v63  }
0x1ee: {  	v3 =	vld [tilespmem:$0x30];
	_ =	sdelay $0x4  }
0x1ef: {  	v27 =	vshrl.u32 v3, $0x3  }
0x1f0: {  	v4 =	vmul.u32 $0x18, v27  }
0x1f1: {  	v3 =	vand.u32 $0x7, v3  }
0x1f2: {  	v3 =	vor.u32 v3, v4  }
0x1f3: {  	v4 =	vperm.xlane v3, v0;
	_ =	sdelay $0x1  }
0x1f4: {  	v4 =	vadd.s32 v1, v4;
	_ =	sdelay $0x1  }
0x1f5: {  	v3 =	vperm.xlane v3, v2;
	_ =	sdelay $0x1  }
0x1f6: {  	s29 =	simm.s32 $0x4880;
	v3 =	vadd.s32 v1, v3  }
0x1f7: {  	[tilespmem:s29], [sflag:$0x1] =	stream.indirect_vreg.gather [hbm4b:s4+s2], $0x80, v4, vm0, $0xb8;
	[tilespmem:$0xC080] =	vst v63  }
0x1f8: {  	s15 =	simm.s32 $0x5080  }
0x1f9: {  	[tilespmem:s15], [sflag:$0x1] =	stream.indirect_vreg.gather [hbm4b:s6+s2], $0x80, v4, vm1, $0xb8;
	[tilespmem:$0xC080] =	vst v63  }
0x1fa: {  	s16 =	simm.s32 $0x5480  }
0x1fb: {  	[tilespmem:s16], [sflag:$0x1] =	stream.indirect_vreg.gather [hbm4b:s4+s2], $0x80, v3, vm0, $0xb8;
	[tilespmem:$0xC080] =	vst v63  }
0x1fc: {  	s20 =	simm.s32 $0x5C80  }
0x1fd: {  	[tilespmem:s20], [sflag:$0x1] =	stream.indirect_vreg.gather [hbm4b:s6+s2], $0x80, v3, vm1, $0xb8;
	[tilespmem:$0xC080] =	vst v63  }
0x1fe: {  	v3 =	vld [tilespmem:$0x40];
	_ =	sdelay $0x4  }
0x1ff: {  	v28 =	vshrl.u32 v3, $0x3  }
0x200: {  	v4 =	vmul.u32 $0x18, v28  }
0x201: {  	v3 =	vand.u32 $0x7, v3  }
0x202: {  	v3 =	vor.u32 v3, v4  }
0x203: {  	v4 =	vperm.xlane v3, v0;
	_ =	sdelay $0x1  }
0x204: {  	v4 =	vadd.s32 v1, v4;
	_ =	sdelay $0x1  }
0x205: {  	v3 =	vperm.xlane v3, v2;
	_ =	sdelay $0x1  }
0x206: {  	s17 =	simm.s32 $0x6080;
	v3 =	vadd.s32 v1, v3  }
0x207: {  	[tilespmem:s17], [sflag:$0x1] =	stream.indirect_vreg.gather [hbm4b:s4+s2], $0x80, v4, vm0, $0xb8;
	[tilespmem:$0xC080] =	vst v63  }
0x208: {  	s18 =	simm.s32 $0x6880  }
0x209: {  	[tilespmem:s18], [sflag:$0x1] =	stream.indirect_vreg.gather [hbm4b:s6+s2], $0x80, v4, vm1, $0xb8;
	[tilespmem:$0xC080] =	vst v63  }
0x20a: {  	s21 =	simm.s32 $0x6C80  }
0x20b: {  	[tilespmem:s21], [sflag:$0x1] =	stream.indirect_vreg.gather [hbm4b:s4+s2], $0x80, v3, vm0, $0xb8;
	[tilespmem:$0xC080] =	vst v63  }
0x20c: {  	s14 =	simm.s32 $0x7480  }
0x20d: {  	[tilespmem:s14], [sflag:$0x1] =	stream.indirect_vreg.gather [hbm4b:s6+s2], $0x80, v3, vm1, $0xb8;
	[tilespmem:$0xC080] =	vst v63  }
0x20e: {  	v3 =	vld [tilespmem:$0x50];
	_ =	sdelay $0x4  }
0x20f: {  	v29 =	vshrl.u32 v3, $0x3  }
0x210: {  	v4 =	vmul.u32 $0x18, v29  }
0x211: {  	v3 =	vand.u32 $0x7, v3  }
0x212: {  	v3 =	vor.u32 v3, v4  }
0x213: {  	v4 =	vperm.xlane v3, v0;
	_ =	sdelay $0x1  }
0x214: {  	v4 =	vadd.s32 v1, v4;
	_ =	sdelay $0x1  }
0x215: {  	v3 =	vperm.xlane v3, v2;
	_ =	sdelay $0x1  }
0x216: {  	s22 =	simm.s32 $0x7880;
	v3 =	vadd.s32 v1, v3  }
0x217: {  	[tilespmem:s22], [sflag:$0x1] =	stream.indirect_vreg.gather [hbm4b:s4+s2], $0x80, v4, vm0, $0xb8;
	[tilespmem:$0xC080] =	vst v63  }
0x218: {  	s23 =	simm.s32 $0x8080  }
0x219: {  	[tilespmem:s23], [sflag:$0x1] =	stream.indirect_vreg.gather [hbm4b:s6+s2], $0x80, v4, vm1, $0xb8;
	[tilespmem:$0xC080] =	vst v63  }
0x21a: {  	s0 =	simm.s32 $0x8480  }
0x21b: {  	[tilespmem:s0], [sflag:$0x1] =	stream.indirect_vreg.gather [hbm4b:s4+s2], $0x80, v3, vm0, $0xb8;
	[tilespmem:$0xC080] =	vst v63  }
0x21c: {  	s28 =	simm.s32 $0x8C80  }
0x21d: {  	[tilespmem:s28], [sflag:$0x1] =	stream.indirect_vreg.gather [hbm4b:s6+s2], $0x80, v3, vm1, $0xb8;
	[tilespmem:$0xC080] =	vst v63  }
0x21e: {  	v3 =	vld [tilespmem:$0x60];
	_ =	sdelay $0x4  }
0x21f: {  	v30 =	vshrl.u32 v3, $0x3  }
0x220: {  	v4 =	vmul.u32 $0x18, v30  }
0x221: {  	v3 =	vand.u32 $0x7, v3  }
0x222: {  	v3 =	vor.u32 v3, v4  }
0x223: {  	v4 =	vperm.xlane v3, v0;
	_ =	sdelay $0x1  }
0x224: {  	v4 =	vadd.s32 v1, v4;
	_ =	sdelay $0x1  }
0x225: {  	v3 =	vperm.xlane v3, v2;
	_ =	sdelay $0x1  }
0x226: {  	s24 =	simm.s32 $0x9080;
	v3 =	vadd.s32 v1, v3  }
0x227: {  	[tilespmem:s24], [sflag:$0x1] =	stream.indirect_vreg.gather [hbm4b:s4+s2], $0x80, v4, vm0, $0xb8;
	[tilespmem:$0xC080] =	vst v63  }
0x228: {  	s1 =	simm.s32 $0x9880  }
0x229: {  	[tilespmem:s1], [sflag:$0x1] =	stream.indirect_vreg.gather [hbm4b:s6+s2], $0x80, v4, vm1, $0xb8;
	[tilespmem:$0xC080] =	vst v63  }
0x22a: {  	s3 =	simm.s32 $0x9C80  }
0x22b: {  	[tilespmem:s3], [sflag:$0x1] =	stream.indirect_vreg.gather [hbm4b:s4+s2], $0x80, v3, vm0, $0xb8;
	[tilespmem:$0xC080] =	vst v63  }
0x22c: {  	s25 =	simm.s32 $0xA480  }
0x22d: {  	[tilespmem:s25], [sflag:$0x1] =	stream.indirect_vreg.gather [hbm4b:s6+s2], $0x80, v3, vm1, $0xb8;
	[tilespmem:$0xC080] =	vst v63  }
0x22e: {  	v3 =	vld [tilespmem:$0x70];
	_ =	sdelay $0x4  }
0x22f: {  	v31 =	vshrl.u32 v3, $0x3  }
0x230: {  	v4 =	vmul.u32 $0x18, v31  }
0x231: {  	v3 =	vand.u32 $0x7, v3  }
0x232: {  	v3 =	vor.u32 v3, v4  }
0x233: {  	v4 =	vperm.xlane v3, v0;
	_ =	sdelay $0x1  }
0x234: {  	v4 =	vadd.s32 v1, v4;
	_ =	sdelay $0x1  }
0x235: {  	v3 =	vperm.xlane v3, v2;
	_ =	sdelay $0x1  }
0x236: {  	s8 =	simm.s32 $0xA880;
	v3 =	vadd.s32 v1, v3  }
0x237: {  	[tilespmem:s8], [sflag:$0x1] =	stream.indirect_vreg.gather [hbm4b:s4+s2], $0x80, v4, vm0, $0xb8;
	[tilespmem:$0xC080] =	vst v63  }
0x238: {  	s11 =	simm.s32 $0xB080  }
0x239: {  	[tilespmem:s11], [sflag:$0x1] =	stream.indirect_vreg.gather [hbm4b:s6+s2], $0x80, v4, vm1, $0xb8;
	[tilespmem:$0xC080] =	vst v63  }
0x23a: {  	s12 =	simm.s32 $0xB480  }
0x23b: {  	[tilespmem:s12], [sflag:$0x1] =	stream.indirect_vreg.gather [hbm4b:s4+s2], $0x80, v3, vm0, $0xb8;
	[tilespmem:$0xC080] =	vst v63  }
0x23c: {  	s13 =	simm.s32 $0xBC80  }
0x23d: {  	[tilespmem:s13], [sflag:$0x1] =	stream.indirect_vreg.gather [hbm4b:s6+s2], $0x80, v3, vm1, $0xb8;
	[tilespmem:$0xC080] =	vst v63  }
0x23e: {  	_ =	swait.ge [sflag:s19], $0xC000  }
0x23f: {  	[sflag:s19] =	ssyncset.done $0x0  }
0x240: {  	s13 =	rddreg [dreg:$0xa];
	[sflag:s19] =	ssyncadd.s32 $0xFFFF4000  }
0x241: {  	[hbm4b:s13+s2] =	stream.linear.scatter [tilespmem:s10], [sflag:$0x2], $0xC000, $0x38;
	[tilespmem:$0xC080] =	vst v63  }
0x242: {  	_ =	swait.ge [sflag:s9], $0xC000  }
0x243: {  	[sflag:s9] =	ssyncset.done $0x0  }
0x244: {  	s13 =	rddreg [dreg:$0xb];
	[sflag:s9] =	ssyncadd.s32 $0xFFFF4000  }
0x245: {  	[tilespmem:s2], [sflag:$0x2] =	stream.linear.gather [hbm4b:s13+s2], $0x80, $0x38;
	[tilespmem:$0xC080] =	vst v63  }
0x246: {  	_ =	swait.ge [sflag:s9], $0x80  }
0x247: {  	[sflag:s9] =	ssyncset.done $0x0  }
0x248: {  	[sflag:s9] =	ssyncadd.s32 $0xFFFFFF80  }
0x249: {  	v3 =	vld [tilespmem:$0x0];
	_ =	sdelay $0x4  }
0x24a: {  	v32 =	vshrl.u32 v3, $0x3  }
0x24b: {  	v4 =	vmul.u32 $0x18, v32  }
0x24c: {  	v3 =	vand.u32 $0x7, v3  }
0x24d: {  	v3 =	vor.u32 v3, v4  }
0x24e: {  	v4 =	vperm.xlane v3, v0;
	_ =	sdelay $0x1  }
0x24f: {  	v4 =	vadd.s32 v1, v4;
	_ =	sdelay $0x1  }
0x250: {  	v3 =	vperm.xlane v3, v2;
	_ =	sdelay $0x1  }
0x251: {  	v3 =	vadd.s32 v1, v3  }
0x252: {  	[tilespmem:s10], [sflag:$0x1] =	stream.indirect_vreg.gather [hbm4b:s5+s2], $0x80, v4, vm0, $0xb8;
	[tilespmem:$0xC080] =	vst v63  }
0x253: {  	s20 =	simm.s32 $0x880  }
0x254: {  	[tilespmem:s20], [sflag:$0x1] =	stream.indirect_vreg.gather [hbm4b:s7+s2], $0x80, v4, vm1, $0xb8;
	[tilespmem:$0xC080] =	vst v63  }
0x255: {  	s20 =	simm.s32 $0xC80  }
0x256: {  	[tilespmem:s20], [sflag:$0x1] =	stream.indirect_vreg.gather [hbm4b:s5+s2], $0x80, v3, vm0, $0xb8;
	[tilespmem:$0xC080] =	vst v63  }
0x257: {  	s26 =	simm.s32 $0x1480  }
0x258: {  	[tilespmem:s26], [sflag:$0x1] =	stream.indirect_vreg.gather [hbm4b:s7+s2], $0x80, v3, vm1, $0xb8;
	[tilespmem:$0xC080] =	vst v63  }
0x259: {  	v3 =	vld [tilespmem:$0x10];
	_ =	sdelay $0x4  }
0x25a: {  	v33 =	vshrl.u32 v3, $0x3  }
0x25b: {  	v4 =	vmul.u32 $0x18, v33  }
0x25c: {  	v3 =	vand.u32 $0x7, v3  }
0x25d: {  	v3 =	vor.u32 v3, v4  }
0x25e: {  	v4 =	vperm.xlane v3, v0;
	_ =	sdelay $0x1  }
0x25f: {  	v4 =	vadd.s32 v1, v4;
	_ =	sdelay $0x1  }
0x260: {  	v3 =	vperm.xlane v3, v2;
	_ =	sdelay $0x1  }
0x261: {  	s20 =	simm.s32 $0x1880;
	v3 =	vadd.s32 v1, v3  }
0x262: {  	[tilespmem:s20], [sflag:$0x1] =	stream.indirect_vreg.gather [hbm4b:s5+s2], $0x80, v4, vm0, $0xb8;
	[tilespmem:$0xC080] =	vst v63  }
0x263: {  	s20 =	simm.s32 $0x2080  }
0x264: {  	[tilespmem:s20], [sflag:$0x1] =	stream.indirect_vreg.gather [hbm4b:s7+s2], $0x80, v4, vm1, $0xb8;
	[tilespmem:$0xC080] =	vst v63  }
0x265: {  	s20 =	simm.s32 $0x2480  }
0x266: {  	[tilespmem:s20], [sflag:$0x1] =	stream.indirect_vreg.gather [hbm4b:s5+s2], $0x80, v3, vm0, $0xb8;
	[tilespmem:$0xC080] =	vst v63  }
0x267: {  	s20 =	simm.s32 $0x2C80  }
0x268: {  	[tilespmem:s20], [sflag:$0x1] =	stream.indirect_vreg.gather [hbm4b:s7+s2], $0x80, v3, vm1, $0xb8;
	[tilespmem:$0xC080] =	vst v63  }
0x269: {  	v3 =	vld [tilespmem:$0x20];
	_ =	sdelay $0x4  }
0x26a: {  	v34 =	vshrl.u32 v3, $0x3  }
0x26b: {  	v4 =	vmul.u32 $0x18, v34  }
0x26c: {  	v3 =	vand.u32 $0x7, v3  }
0x26d: {  	v3 =	vor.u32 v3, v4  }
0x26e: {  	v4 =	vperm.xlane v3, v0;
	_ =	sdelay $0x1  }
0x26f: {  	v4 =	vadd.s32 v1, v4;
	_ =	sdelay $0x1  }
0x270: {  	v3 =	vperm.xlane v3, v2;
	_ =	sdelay $0x1  }
0x271: {  	s20 =	simm.s32 $0x3080;
	v3 =	vadd.s32 v1, v3  }
0x272: {  	[tilespmem:s20], [sflag:$0x1] =	stream.indirect_vreg.gather [hbm4b:s5+s2], $0x80, v4, vm0, $0xb8;
	[tilespmem:$0xC080] =	vst v63  }
0x273: {  	s30 =	simm.s32 $0x3880  }
0x274: {  	[tilespmem:s30], [sflag:$0x1] =	stream.indirect_vreg.gather [hbm4b:s7+s2], $0x80, v4, vm1, $0xb8;
	[tilespmem:$0xC080] =	vst v63  }
0x275: {  	s31 =	simm.s32 $0x3C80  }
0x276: {  	[tilespmem:s31], [sflag:$0x1] =	stream.indirect_vreg.gather [hbm4b:s5+s2], $0x80, v3, vm0, $0xb8;
	[tilespmem:$0xC080] =	vst v63  }
0x277: {  	s20 =	simm.s32 $0x4480  }
0x278: {  	[tilespmem:s20], [sflag:$0x1] =	stream.indirect_vreg.gather [hbm4b:s7+s2], $0x80, v3, vm1, $0xb8;
	[tilespmem:$0xC080] =	vst v63  }
0x279: {  	v3 =	vld [tilespmem:$0x30];
	_ =	sdelay $0x4  }
0x27a: {  	v35 =	vshrl.u32 v3, $0x3  }
0x27b: {  	v4 =	vmul.u32 $0x18, v35  }
0x27c: {  	v3 =	vand.u32 $0x7, v3  }
0x27d: {  	v3 =	vor.u32 v3, v4  }
0x27e: {  	v4 =	vperm.xlane v3, v0;
	_ =	sdelay $0x1  }
0x27f: {  	v4 =	vadd.s32 v1, v4;
	_ =	sdelay $0x1  }
0x280: {  	v3 =	vperm.xlane v3, v2;
	_ =	sdelay $0x1  }
0x281: {  	s20 =	simm.s32 $0x4880;
	v3 =	vadd.s32 v1, v3  }
0x282: {  	[tilespmem:s20], [sflag:$0x1] =	stream.indirect_vreg.gather [hbm4b:s5+s2], $0x80, v4, vm0, $0xb8;
	[tilespmem:$0xC080] =	vst v63  }
0x283: {  	s29 =	simm.s32 $0x5080  }
0x284: {  	[tilespmem:s29], [sflag:$0x1] =	stream.indirect_vreg.gather [hbm4b:s7+s2], $0x80, v4, vm1, $0xb8;
	[tilespmem:$0xC080] =	vst v63  }
0x285: {  	s16 =	simm.s32 $0x5480  }
0x286: {  	[tilespmem:s16], [sflag:$0x1] =	stream.indirect_vreg.gather [hbm4b:s5+s2], $0x80, v3, vm0, $0xb8;
	[tilespmem:$0xC080] =	vst v63  }
0x287: {  	s20 =	simm.s32 $0x5C80  }
0x288: {  	[tilespmem:s20], [sflag:$0x1] =	stream.indirect_vreg.gather [hbm4b:s7+s2], $0x80, v3, vm1, $0xb8;
	[tilespmem:$0xC080] =	vst v63  }
0x289: {  	v3 =	vld [tilespmem:$0x40];
	_ =	sdelay $0x4  }
0x28a: {  	v36 =	vshrl.u32 v3, $0x3  }
0x28b: {  	v4 =	vmul.u32 $0x18, v36  }
0x28c: {  	v3 =	vand.u32 $0x7, v3  }
0x28d: {  	v3 =	vor.u32 v3, v4  }
0x28e: {  	v4 =	vperm.xlane v3, v0;
	_ =	sdelay $0x1  }
0x28f: {  	v4 =	vadd.s32 v1, v4;
	_ =	sdelay $0x1  }
0x290: {  	v3 =	vperm.xlane v3, v2;
	_ =	sdelay $0x1  }
0x291: {  	s17 =	simm.s32 $0x6080;
	v3 =	vadd.s32 v1, v3  }
0x292: {  	[tilespmem:s17], [sflag:$0x1] =	stream.indirect_vreg.gather [hbm4b:s5+s2], $0x80, v4, vm0, $0xb8;
	[tilespmem:$0xC080] =	vst v63  }
0x293: {  	s18 =	simm.s32 $0x6880  }
0x294: {  	[tilespmem:s18], [sflag:$0x1] =	stream.indirect_vreg.gather [hbm4b:s7+s2], $0x80, v4, vm1, $0xb8;
	[tilespmem:$0xC080] =	vst v63  }
0x295: {  	s21 =	simm.s32 $0x6C80  }
0x296: {  	[tilespmem:s21], [sflag:$0x1] =	stream.indirect_vreg.gather [hbm4b:s5+s2], $0x80, v3, vm0, $0xb8;
	[tilespmem:$0xC080] =	vst v63  }
0x297: {  	s14 =	simm.s32 $0x7480  }
0x298: {  	[tilespmem:s14], [sflag:$0x1] =	stream.indirect_vreg.gather [hbm4b:s7+s2], $0x80, v3, vm1, $0xb8;
	[tilespmem:$0xC080] =	vst v63  }
0x299: {  	v3 =	vld [tilespmem:$0x50];
	_ =	sdelay $0x4  }
0x29a: {  	v37 =	vshrl.u32 v3, $0x3  }
0x29b: {  	v4 =	vmul.u32 $0x18, v37  }
0x29c: {  	v3 =	vand.u32 $0x7, v3  }
0x29d: {  	v3 =	vor.u32 v3, v4  }
0x29e: {  	v4 =	vperm.xlane v3, v0;
	_ =	sdelay $0x1  }
0x29f: {  	v4 =	vadd.s32 v1, v4;
	_ =	sdelay $0x1  }
0x2a0: {  	v3 =	vperm.xlane v3, v2;
	_ =	sdelay $0x1  }
0x2a1: {  	s15 =	simm.s32 $0x7880;
	v3 =	vadd.s32 v1, v3  }
0x2a2: {  	[tilespmem:s15], [sflag:$0x1] =	stream.indirect_vreg.gather [hbm4b:s5+s2], $0x80, v4, vm0, $0xb8;
	[tilespmem:$0xC080] =	vst v63  }
0x2a3: {  	s23 =	simm.s32 $0x8080  }
0x2a4: {  	[tilespmem:s23], [sflag:$0x1] =	stream.indirect_vreg.gather [hbm4b:s7+s2], $0x80, v4, vm1, $0xb8;
	[tilespmem:$0xC080] =	vst v63  }
0x2a5: {  	s0 =	simm.s32 $0x8480  }
0x2a6: {  	[tilespmem:s0], [sflag:$0x1] =	stream.indirect_vreg.gather [hbm4b:s5+s2], $0x80, v3, vm0, $0xb8;
	[tilespmem:$0xC080] =	vst v63  }
0x2a7: {  	s28 =	simm.s32 $0x8C80  }
0x2a8: {  	[tilespmem:s28], [sflag:$0x1] =	stream.indirect_vreg.gather [hbm4b:s7+s2], $0x80, v3, vm1, $0xb8;
	[tilespmem:$0xC080] =	vst v63  }
0x2a9: {  	v3 =	vld [tilespmem:$0x60];
	_ =	sdelay $0x4  }
0x2aa: {  	v38 =	vshrl.u32 v3, $0x3  }
0x2ab: {  	v4 =	vmul.u32 $0x18, v38  }
0x2ac: {  	v3 =	vand.u32 $0x7, v3  }
0x2ad: {  	v3 =	vor.u32 v3, v4  }
0x2ae: {  	v4 =	vperm.xlane v3, v0;
	_ =	sdelay $0x1  }
0x2af: {  	v4 =	vadd.s32 v1, v4;
	_ =	sdelay $0x1  }
0x2b0: {  	v3 =	vperm.xlane v3, v2;
	_ =	sdelay $0x1  }
0x2b1: {  	s24 =	simm.s32 $0x9080;
	v3 =	vadd.s32 v1, v3  }
0x2b2: {  	[tilespmem:s24], [sflag:$0x1] =	stream.indirect_vreg.gather [hbm4b:s5+s2], $0x80, v4, vm0, $0xb8;
	[tilespmem:$0xC080] =	vst v63  }
0x2b3: {  	s22 =	simm.s32 $0x9880  }
0x2b4: {  	[tilespmem:s22], [sflag:$0x1] =	stream.indirect_vreg.gather [hbm4b:s7+s2], $0x80, v4, vm1, $0xb8;
	[tilespmem:$0xC080] =	vst v63  }
0x2b5: {  	s1 =	simm.s32 $0x9C80  }
0x2b6: {  	[tilespmem:s1], [sflag:$0x1] =	stream.indirect_vreg.gather [hbm4b:s5+s2], $0x80, v3, vm0, $0xb8;
	[tilespmem:$0xC080] =	vst v63  }
0x2b7: {  	s25 =	simm.s32 $0xA480  }
0x2b8: {  	[tilespmem:s25], [sflag:$0x1] =	stream.indirect_vreg.gather [hbm4b:s7+s2], $0x80, v3, vm1, $0xb8;
	[tilespmem:$0xC080] =	vst v63  }
0x2b9: {  	v3 =	vld [tilespmem:$0x70];
	_ =	sdelay $0x4  }
0x2ba: {  	v39 =	vshrl.u32 v3, $0x3  }
0x2bb: {  	v4 =	vmul.u32 $0x18, v39  }
0x2bc: {  	v3 =	vand.u32 $0x7, v3  }
0x2bd: {  	v3 =	vor.u32 v3, v4  }
0x2be: {  	v4 =	vperm.xlane v3, v0;
	_ =	sdelay $0x1  }
0x2bf: {  	v4 =	vadd.s32 v1, v4;
	_ =	sdelay $0x1  }
0x2c0: {  	v3 =	vperm.xlane v3, v2;
	_ =	sdelay $0x1  }
0x2c1: {  	s3 =	simm.s32 $0xA880;
	v3 =	vadd.s32 v1, v3  }
0x2c2: {  	[tilespmem:s3], [sflag:$0x1] =	stream.indirect_vreg.gather [hbm4b:s5+s2], $0x80, v4, vm0, $0xb8;
	[tilespmem:$0xC080] =	vst v63  }
0x2c3: {  	s8 =	simm.s32 $0xB080  }
0x2c4: {  	[tilespmem:s8], [sflag:$0x1] =	stream.indirect_vreg.gather [hbm4b:s7+s2], $0x80, v4, vm1, $0xb8;
	[tilespmem:$0xC080] =	vst v63  }
0x2c5: {  	s11 =	simm.s32 $0xB480  }
0x2c6: {  	[tilespmem:s11], [sflag:$0x1] =	stream.indirect_vreg.gather [hbm4b:s5+s2], $0x80, v3, vm0, $0xb8;
	[tilespmem:$0xC080] =	vst v63  }
0x2c7: {  	s12 =	simm.s32 $0xBC80  }
0x2c8: {  	[tilespmem:s12], [sflag:$0x1] =	stream.indirect_vreg.gather [hbm4b:s7+s2], $0x80, v3, vm1, $0xb8;
	[tilespmem:$0xC080] =	vst v63  }
0x2c9: {  	_ =	swait.ge [sflag:s19], $0xC000  }
0x2ca: {  	[sflag:s19] =	ssyncset.done $0x0  }
0x2cb: {  	s12 =	rddreg [dreg:$0xc];
	[sflag:s19] =	ssyncadd.s32 $0xFFFF4000  }
0x2cc: {  	[hbm4b:s12+s2] =	stream.linear.scatter [tilespmem:s10], [sflag:$0x2], $0xC000, $0x38;
	[tilespmem:$0xC080] =	vst v63  }
0x2cd: {  	_ =	swait.ge [sflag:s9], $0xC000  }
0x2ce: {  	[sflag:s9] =	ssyncset.done $0x0  }
0x2cf: {  	s12 =	rddreg [dreg:$0xd];
	[sflag:s9] =	ssyncadd.s32 $0xFFFF4000  }
0x2d0: {  	[tilespmem:s2], [sflag:$0x2] =	stream.linear.gather [hbm4b:s12+s2], $0x80, $0x38;
	[tilespmem:$0xC080] =	vst v63  }
0x2d1: {  	_ =	swait.ge [sflag:s9], $0x80  }
0x2d2: {  	[sflag:s9] =	ssyncset.done $0x0  }
0x2d3: {  	[sflag:s9] =	ssyncadd.s32 $0xFFFFFF80  }
0x2d4: {  	v3 =	vld [tilespmem:$0x0];
	_ =	sdelay $0x4  }
0x2d5: {  	v40 =	vshrl.u32 v3, $0x3  }
0x2d6: {  	v4 =	vmul.u32 $0x18, v40  }
0x2d7: {  	v3 =	vand.u32 $0x7, v3  }
0x2d8: {  	v3 =	vor.u32 v3, v4  }
0x2d9: {  	v4 =	vperm.xlane v3, v0;
	_ =	sdelay $0x1  }
0x2da: {  	v4 =	vadd.s32 v1, v4;
	_ =	sdelay $0x1  }
0x2db: {  	v3 =	vperm.xlane v3, v2;
	_ =	sdelay $0x1  }
0x2dc: {  	v3 =	vadd.s32 v1, v3  }
0x2dd: {  	[tilespmem:s10], [sflag:$0x1] =	stream.indirect_vreg.gather [hbm4b:s5+s2], $0x80, v4, vm0, $0xb8;
	[tilespmem:$0xC080] =	vst v63  }
0x2de: {  	s20 =	simm.s32 $0x880  }
0x2df: {  	[tilespmem:s20], [sflag:$0x1] =	stream.indirect_vreg.gather [hbm4b:s7+s2], $0x80, v4, vm1, $0xb8;
	[tilespmem:$0xC080] =	vst v63  }
0x2e0: {  	s20 =	simm.s32 $0xC80  }
0x2e1: {  	[tilespmem:s20], [sflag:$0x1] =	stream.indirect_vreg.gather [hbm4b:s5+s2], $0x80, v3, vm0, $0xb8;
	[tilespmem:$0xC080] =	vst v63  }
0x2e2: {  	s26 =	simm.s32 $0x1480  }
0x2e3: {  	[tilespmem:s26], [sflag:$0x1] =	stream.indirect_vreg.gather [hbm4b:s7+s2], $0x80, v3, vm1, $0xb8;
	[tilespmem:$0xC080] =	vst v63  }
0x2e4: {  	v3 =	vld [tilespmem:$0x10];
	_ =	sdelay $0x4  }
0x2e5: {  	v41 =	vshrl.u32 v3, $0x3  }
0x2e6: {  	v4 =	vmul.u32 $0x18, v41  }
0x2e7: {  	v3 =	vand.u32 $0x7, v3  }
0x2e8: {  	v3 =	vor.u32 v3, v4  }
0x2e9: {  	v4 =	vperm.xlane v3, v0;
	_ =	sdelay $0x1  }
0x2ea: {  	v4 =	vadd.s32 v1, v4;
	_ =	sdelay $0x1  }
0x2eb: {  	v3 =	vperm.xlane v3, v2;
	_ =	sdelay $0x1  }
0x2ec: {  	s26 =	simm.s32 $0x1880;
	v3 =	vadd.s32 v1, v3  }
0x2ed: {  	[tilespmem:s26], [sflag:$0x1] =	stream.indirect_vreg.gather [hbm4b:s5+s2], $0x80, v4, vm0, $0xb8;
	[tilespmem:$0xC080] =	vst v63  }
0x2ee: {  	s26 =	simm.s32 $0x2080  }
0x2ef: {  	[tilespmem:s26], [sflag:$0x1] =	stream.indirect_vreg.gather [hbm4b:s7+s2], $0x80, v4, vm1, $0xb8;
	[tilespmem:$0xC080] =	vst v63  }
0x2f0: {  	s26 =	simm.s32 $0x2480  }
0x2f1: {  	[tilespmem:s26], [sflag:$0x1] =	stream.indirect_vreg.gather [hbm4b:s5+s2], $0x80, v3, vm0, $0xb8;
	[tilespmem:$0xC080] =	vst v63  }
0x2f2: {  	s26 =	simm.s32 $0x2C80  }
0x2f3: {  	[tilespmem:s26], [sflag:$0x1] =	stream.indirect_vreg.gather [hbm4b:s7+s2], $0x80, v3, vm1, $0xb8;
	[tilespmem:$0xC080] =	vst v63  }
0x2f4: {  	v3 =	vld [tilespmem:$0x20];
	_ =	sdelay $0x4  }
0x2f5: {  	v42 =	vshrl.u32 v3, $0x3  }
0x2f6: {  	v4 =	vmul.u32 $0x18, v42  }
0x2f7: {  	v3 =	vand.u32 $0x7, v3  }
0x2f8: {  	v3 =	vor.u32 v3, v4  }
0x2f9: {  	v4 =	vperm.xlane v3, v0;
	_ =	sdelay $0x1  }
0x2fa: {  	v4 =	vadd.s32 v1, v4;
	_ =	sdelay $0x1  }
0x2fb: {  	v3 =	vperm.xlane v3, v2;
	_ =	sdelay $0x1  }
0x2fc: {  	s26 =	simm.s32 $0x3080;
	v3 =	vadd.s32 v1, v3  }
0x2fd: {  	[tilespmem:s26], [sflag:$0x1] =	stream.indirect_vreg.gather [hbm4b:s5+s2], $0x80, v4, vm0, $0xb8;
	[tilespmem:$0xC080] =	vst v63  }
0x2fe: {  	s30 =	simm.s32 $0x3880  }
0x2ff: {  	[tilespmem:s30], [sflag:$0x1] =	stream.indirect_vreg.gather [hbm4b:s7+s2], $0x80, v4, vm1, $0xb8;
	[tilespmem:$0xC080] =	vst v63  }
0x300: {  	s31 =	simm.s32 $0x3C80  }
0x301: {  	[tilespmem:s31], [sflag:$0x1] =	stream.indirect_vreg.gather [hbm4b:s5+s2], $0x80, v3, vm0, $0xb8;
	[tilespmem:$0xC080] =	vst v63  }
0x302: {  	s26 =	simm.s32 $0x4480  }
0x303: {  	[tilespmem:s26], [sflag:$0x1] =	stream.indirect_vreg.gather [hbm4b:s7+s2], $0x80, v3, vm1, $0xb8;
	[tilespmem:$0xC080] =	vst v63  }
0x304: {  	v3 =	vld [tilespmem:$0x30];
	_ =	sdelay $0x4  }
0x305: {  	v43 =	vshrl.u32 v3, $0x3  }
0x306: {  	v4 =	vmul.u32 $0x18, v43  }
0x307: {  	v3 =	vand.u32 $0x7, v3  }
0x308: {  	v3 =	vor.u32 v3, v4  }
0x309: {  	v4 =	vperm.xlane v3, v0;
	_ =	sdelay $0x1  }
0x30a: {  	v4 =	vadd.s32 v1, v4;
	_ =	sdelay $0x1  }
0x30b: {  	v3 =	vperm.xlane v3, v2;
	_ =	sdelay $0x1  }
0x30c: {  	s26 =	simm.s32 $0x4880;
	v3 =	vadd.s32 v1, v3  }
0x30d: {  	[tilespmem:s26], [sflag:$0x1] =	stream.indirect_vreg.gather [hbm4b:s5+s2], $0x80, v4, vm0, $0xb8;
	[tilespmem:$0xC080] =	vst v63  }
0x30e: {  	s29 =	simm.s32 $0x5080  }
0x30f: {  	[tilespmem:s29], [sflag:$0x1] =	stream.indirect_vreg.gather [hbm4b:s7+s2], $0x80, v4, vm1, $0xb8;
	[tilespmem:$0xC080] =	vst v63  }
0x310: {  	s13 =	simm.s32 $0x5480  }
0x311: {  	[tilespmem:s13], [sflag:$0x1] =	stream.indirect_vreg.gather [hbm4b:s5+s2], $0x80, v3, vm0, $0xb8;
	[tilespmem:$0xC080] =	vst v63  }
0x312: {  	s29 =	simm.s32 $0x5C80  }
0x313: {  	[tilespmem:s29], [sflag:$0x1] =	stream.indirect_vreg.gather [hbm4b:s7+s2], $0x80, v3, vm1, $0xb8;
	[tilespmem:$0xC080] =	vst v63  }
0x314: {  	v3 =	vld [tilespmem:$0x40];
	_ =	sdelay $0x4  }
0x315: {  	v44 =	vshrl.u32 v3, $0x3  }
0x316: {  	v4 =	vmul.u32 $0x18, v44  }
0x317: {  	v3 =	vand.u32 $0x7, v3  }
0x318: {  	v3 =	vor.u32 v3, v4  }
0x319: {  	v4 =	vperm.xlane v3, v0;
	_ =	sdelay $0x1  }
0x31a: {  	v4 =	vadd.s32 v1, v4;
	_ =	sdelay $0x1  }
0x31b: {  	v3 =	vperm.xlane v3, v2;
	_ =	sdelay $0x1  }
0x31c: {  	s16 =	simm.s32 $0x6080;
	v3 =	vadd.s32 v1, v3  }
0x31d: {  	[tilespmem:s16], [sflag:$0x1] =	stream.indirect_vreg.gather [hbm4b:s5+s2], $0x80, v4, vm0, $0xb8;
	[tilespmem:$0xC080] =	vst v63  }
0x31e: {  	s17 =	simm.s32 $0x6880  }
0x31f: {  	[tilespmem:s17], [sflag:$0x1] =	stream.indirect_vreg.gather [hbm4b:s7+s2], $0x80, v4, vm1, $0xb8;
	[tilespmem:$0xC080] =	vst v63  }
0x320: {  	s18 =	simm.s32 $0x6C80  }
0x321: {  	[tilespmem:s18], [sflag:$0x1] =	stream.indirect_vreg.gather [hbm4b:s5+s2], $0x80, v3, vm0, $0xb8;
	[tilespmem:$0xC080] =	vst v63  }
0x322: {  	s14 =	simm.s32 $0x7480  }
0x323: {  	[tilespmem:s14], [sflag:$0x1] =	stream.indirect_vreg.gather [hbm4b:s7+s2], $0x80, v3, vm1, $0xb8;
	[tilespmem:$0xC080] =	vst v63  }
0x324: {  	v3 =	vld [tilespmem:$0x50];
	_ =	sdelay $0x4  }
0x325: {  	v45 =	vshrl.u32 v3, $0x3  }
0x326: {  	v4 =	vmul.u32 $0x18, v45  }
0x327: {  	v3 =	vand.u32 $0x7, v3  }
0x328: {  	v3 =	vor.u32 v3, v4  }
0x329: {  	v4 =	vperm.xlane v3, v0;
	_ =	sdelay $0x1  }
0x32a: {  	v4 =	vadd.s32 v1, v4;
	_ =	sdelay $0x1  }
0x32b: {  	v3 =	vperm.xlane v3, v2;
	_ =	sdelay $0x1  }
0x32c: {  	s15 =	simm.s32 $0x7880;
	v3 =	vadd.s32 v1, v3  }
0x32d: {  	[tilespmem:s15], [sflag:$0x1] =	stream.indirect_vreg.gather [hbm4b:s5+s2], $0x80, v4, vm0, $0xb8;
	[tilespmem:$0xC080] =	vst v63  }
0x32e: {  	s23 =	simm.s32 $0x8080  }
0x32f: {  	[tilespmem:s23], [sflag:$0x1] =	stream.indirect_vreg.gather [hbm4b:s7+s2], $0x80, v4, vm1, $0xb8;
	[tilespmem:$0xC080] =	vst v63  }
0x330: {  	s0 =	simm.s32 $0x8480  }
0x331: {  	[tilespmem:s0], [sflag:$0x1] =	stream.indirect_vreg.gather [hbm4b:s5+s2], $0x80, v3, vm0, $0xb8;
	[tilespmem:$0xC080] =	vst v63  }
0x332: {  	s28 =	simm.s32 $0x8C80  }
0x333: {  	[tilespmem:s28], [sflag:$0x1] =	stream.indirect_vreg.gather [hbm4b:s7+s2], $0x80, v3, vm1, $0xb8;
	[tilespmem:$0xC080] =	vst v63  }
0x334: {  	v3 =	vld [tilespmem:$0x60];
	_ =	sdelay $0x4  }
0x335: {  	v46 =	vshrl.u32 v3, $0x3  }
0x336: {  	v4 =	vmul.u32 $0x18, v46  }
0x337: {  	v3 =	vand.u32 $0x7, v3  }
0x338: {  	v3 =	vor.u32 v3, v4  }
0x339: {  	v4 =	vperm.xlane v3, v0;
	_ =	sdelay $0x1  }
0x33a: {  	v4 =	vadd.s32 v1, v4;
	_ =	sdelay $0x1  }
0x33b: {  	v3 =	vperm.xlane v3, v2;
	_ =	sdelay $0x1  }
0x33c: {  	s24 =	simm.s32 $0x9080;
	v3 =	vadd.s32 v1, v3  }
0x33d: {  	[tilespmem:s24], [sflag:$0x1] =	stream.indirect_vreg.gather [hbm4b:s5+s2], $0x80, v4, vm0, $0xb8;
	[tilespmem:$0xC080] =	vst v63  }
0x33e: {  	s22 =	simm.s32 $0x9880  }
0x33f: {  	[tilespmem:s22], [sflag:$0x1] =	stream.indirect_vreg.gather [hbm4b:s7+s2], $0x80, v4, vm1, $0xb8;
	[tilespmem:$0xC080] =	vst v63  }
0x340: {  	s21 =	simm.s32 $0x9C80  }
0x341: {  	[tilespmem:s21], [sflag:$0x1] =	stream.indirect_vreg.gather [hbm4b:s5+s2], $0x80, v3, vm0, $0xb8;
	[tilespmem:$0xC080] =	vst v63  }
0x342: {  	s25 =	simm.s32 $0xA480  }
0x343: {  	[tilespmem:s25], [sflag:$0x1] =	stream.indirect_vreg.gather [hbm4b:s7+s2], $0x80, v3, vm1, $0xb8;
	[tilespmem:$0xC080] =	vst v63  }
0x344: {  	v3 =	vld [tilespmem:$0x70];
	_ =	sdelay $0x4  }
0x345: {  	v47 =	vshrl.u32 v3, $0x3  }
0x346: {  	v4 =	vmul.u32 $0x18, v47  }
0x347: {  	v3 =	vand.u32 $0x7, v3  }
0x348: {  	v3 =	vor.u32 v3, v4  }
0x349: {  	v4 =	vperm.xlane v3, v0;
	_ =	sdelay $0x1  }
0x34a: {  	v4 =	vadd.s32 v1, v4;
	_ =	sdelay $0x1  }
0x34b: {  	v3 =	vperm.xlane v3, v2;
	_ =	sdelay $0x1  }
0x34c: {  	s1 =	simm.s32 $0xA880;
	v3 =	vadd.s32 v1, v3  }
0x34d: {  	[tilespmem:s1], [sflag:$0x1] =	stream.indirect_vreg.gather [hbm4b:s5+s2], $0x80, v4, vm0, $0xb8;
	[tilespmem:$0xC080] =	vst v63  }
0x34e: {  	s3 =	simm.s32 $0xB080  }
0x34f: {  	[tilespmem:s3], [sflag:$0x1] =	stream.indirect_vreg.gather [hbm4b:s7+s2], $0x80, v4, vm1, $0xb8;
	[tilespmem:$0xC080] =	vst v63  }
0x350: {  	s8 =	simm.s32 $0xB480  }
0x351: {  	[tilespmem:s8], [sflag:$0x1] =	stream.indirect_vreg.gather [hbm4b:s5+s2], $0x80, v3, vm0, $0xb8;
	[tilespmem:$0xC080] =	vst v63  }
0x352: {  	s11 =	simm.s32 $0xBC80  }
0x353: {  	[tilespmem:s11], [sflag:$0x1] =	stream.indirect_vreg.gather [hbm4b:s7+s2], $0x80, v3, vm1, $0xb8;
	[tilespmem:$0xC080] =	vst v63  }
0x354: {  	_ =	swait.ge [sflag:s19], $0xC000  }
0x355: {  	[sflag:s19] =	ssyncset.done $0x0  }
0x356: {  	s28 =	rddreg [dreg:$0xe];
	[sflag:s19] =	ssyncadd.s32 $0xFFFF4000  }
0x357: {  	[hbm4b:s28+s2] =	stream.linear.scatter [tilespmem:s10], [sflag:$0x2], $0xC000, $0x38;
	[tilespmem:$0xC080] =	vst v63  }
0x358: {  	_ =	swait.ge [sflag:s9], $0xC000  }
0x359: {  	[sflag:s9] =	ssyncset.done $0x0  }
0x35a: {  	s0 =	rddreg [dreg:$0xf];
	[sflag:s9] =	ssyncadd.s32 $0xFFFF4000  }
0x35b: {  	[tilespmem:s2], [sflag:$0x2] =	stream.linear.gather [hbm4b:s0+s2], $0x80, $0x38;
	[tilespmem:$0xC080] =	vst v63  }
0x35c: {  	_ =	swait.ge [sflag:s9], $0x80  }
0x35d: {  	[sflag:s9] =	ssyncset.done $0x0  }
0x35e: {  	[sflag:s9] =	ssyncadd.s32 $0xFFFFFF80  }
0x35f: {  	v3 =	vld [tilespmem:$0x0];
	_ =	sdelay $0x4  }
0x360: {  	v48 =	vshrl.u32 v3, $0x3  }
0x361: {  	v4 =	vmul.u32 $0x18, v48  }
0x362: {  	v3 =	vand.u32 $0x7, v3  }
0x363: {  	v3 =	vor.u32 v3, v4  }
0x364: {  	v4 =	vperm.xlane v3, v0;
	_ =	sdelay $0x1  }
0x365: {  	v4 =	vadd.s32 v1, v4;
	_ =	sdelay $0x1  }
0x366: {  	v3 =	vperm.xlane v3, v2;
	_ =	sdelay $0x1  }
0x367: {  	v3 =	vadd.s32 v1, v3  }
0x368: {  	[tilespmem:s10], [sflag:$0x1] =	stream.indirect_vreg.gather [hbm4b:s5+s2], $0x80, v4, vm0, $0xb8;
	[tilespmem:$0xC080] =	vst v63  }
0x369: {  	s1 =	simm.s32 $0x880  }
0x36a: {  	[tilespmem:s1], [sflag:$0x1] =	stream.indirect_vreg.gather [hbm4b:s7+s2], $0x80, v4, vm1, $0xb8;
	[tilespmem:$0xC080] =	vst v63  }
0x36b: {  	s11 =	simm.s32 $0xC80  }
0x36c: {  	[tilespmem:s11], [sflag:$0x1] =	stream.indirect_vreg.gather [hbm4b:s5+s2], $0x80, v3, vm0, $0xb8;
	[tilespmem:$0xC080] =	vst v63  }
0x36d: {  	s12 =	simm.s32 $0x1480  }
0x36e: {  	[tilespmem:s12], [sflag:$0x1] =	stream.indirect_vreg.gather [hbm4b:s7+s2], $0x80, v3, vm1, $0xb8;
	[tilespmem:$0xC080] =	vst v63  }
0x36f: {  	v3 =	vld [tilespmem:$0x10];
	_ =	sdelay $0x4  }
0x370: {  	v49 =	vshrl.u32 v3, $0x3  }
0x371: {  	v4 =	vmul.u32 $0x18, v49  }
0x372: {  	v3 =	vand.u32 $0x7, v3  }
0x373: {  	v3 =	vor.u32 v3, v4  }
0x374: {  	v4 =	vperm.xlane v3, v0;
	_ =	sdelay $0x1  }
0x375: {  	v4 =	vadd.s32 v1, v4;
	_ =	sdelay $0x1  }
0x376: {  	v3 =	vperm.xlane v3, v2;
	_ =	sdelay $0x1  }
0x377: {  	s12 =	simm.s32 $0x1880;
	v3 =	vadd.s32 v1, v3  }
0x378: {  	[tilespmem:s12], [sflag:$0x1] =	stream.indirect_vreg.gather [hbm4b:s5+s2], $0x80, v4, vm0, $0xb8;
	[tilespmem:$0xC080] =	vst v63  }
0x379: {  	s20 =	simm.s32 $0x2080  }
0x37a: {  	[tilespmem:s20], [sflag:$0x1] =	stream.indirect_vreg.gather [hbm4b:s7+s2], $0x80, v4, vm1, $0xb8;
	[tilespmem:$0xC080] =	vst v63  }
0x37b: {  	s22 =	simm.s32 $0x2480  }
0x37c: {  	[tilespmem:s22], [sflag:$0x1] =	stream.indirect_vreg.gather [hbm4b:s5+s2], $0x80, v3, vm0, $0xb8;
	[tilespmem:$0xC080] =	vst v63  }
0x37d: {  	s24 =	simm.s32 $0x2C80  }
0x37e: {  	[tilespmem:s24], [sflag:$0x1] =	stream.indirect_vreg.gather [hbm4b:s7+s2], $0x80, v3, vm1, $0xb8;
	[tilespmem:$0xC080] =	vst v63  }
0x37f: {  	v3 =	vld [tilespmem:$0x20];
	_ =	sdelay $0x4  }
0x380: {  	v50 =	vshrl.u32 v3, $0x3  }
0x381: {  	v4 =	vmul.u32 $0x18, v50  }
0x382: {  	v3 =	vand.u32 $0x7, v3  }
0x383: {  	v3 =	vor.u32 v3, v4  }
0x384: {  	v4 =	vperm.xlane v3, v0;
	_ =	sdelay $0x1  }
0x385: {  	v4 =	vadd.s32 v1, v4;
	_ =	sdelay $0x1  }
0x386: {  	v3 =	vperm.xlane v3, v2;
	_ =	sdelay $0x1  }
0x387: {  	s25 =	simm.s32 $0x3080;
	v3 =	vadd.s32 v1, v3  }
0x388: {  	[tilespmem:s25], [sflag:$0x1] =	stream.indirect_vreg.gather [hbm4b:s5+s2], $0x80, v4, vm0, $0xb8;
	[tilespmem:$0xC080] =	vst v63  }
0x389: {  	s30 =	simm.s32 $0x3880  }
0x38a: {  	[tilespmem:s30], [sflag:$0x1] =	stream.indirect_vreg.gather [hbm4b:s7+s2], $0x80, v4, vm1, $0xb8;
	[tilespmem:$0xC080] =	vst v63  }
0x38b: {  	s31 =	simm.s32 $0x3C80  }
0x38c: {  	[tilespmem:s31], [sflag:$0x1] =	stream.indirect_vreg.gather [hbm4b:s5+s2], $0x80, v3, vm0, $0xb8;
	[tilespmem:$0xC080] =	vst v63  }
0x38d: {  	s28 =	simm.s32 $0x4480  }
0x38e: {  	[tilespmem:s28], [sflag:$0x1] =	stream.indirect_vreg.gather [hbm4b:s7+s2], $0x80, v3, vm1, $0xb8;
	[tilespmem:$0xC080] =	vst v63  }
0x38f: {  	v3 =	vld [tilespmem:$0x30];
	_ =	sdelay $0x4  }
0x390: {  	v51 =	vshrl.u32 v3, $0x3  }
0x391: {  	v4 =	vmul.u32 $0x18, v51  }
0x392: {  	v3 =	vand.u32 $0x7, v3  }
0x393: {  	v3 =	vor.u32 v3, v4  }
0x394: {  	v4 =	vperm.xlane v3, v0;
	_ =	sdelay $0x1  }
0x395: {  	v4 =	vadd.s32 v1, v4;
	_ =	sdelay $0x1  }
0x396: {  	v3 =	vperm.xlane v3, v2;
	_ =	sdelay $0x1  }
0x397: {  	s30 =	simm.s32 $0x4880;
	v3 =	vadd.s32 v1, v3  }
0x398: {  	[tilespmem:s30], [sflag:$0x1] =	stream.indirect_vreg.gather [hbm4b:s5+s2], $0x80, v4, vm0, $0xb8;
	[tilespmem:$0xC080] =	vst v63  }
0x399: {  	s26 =	simm.s32 $0x5080  }
0x39a: {  	[tilespmem:s26], [sflag:$0x1] =	stream.indirect_vreg.gather [hbm4b:s7+s2], $0x80, v4, vm1, $0xb8;
	[tilespmem:$0xC080] =	vst v63  }
0x39b: {  	s13 =	simm.s32 $0x5480  }
0x39c: {  	[tilespmem:s13], [sflag:$0x1] =	stream.indirect_vreg.gather [hbm4b:s5+s2], $0x80, v3, vm0, $0xb8;
	[tilespmem:$0xC080] =	vst v63  }
0x39d: {  	s31 =	simm.s32 $0x5C80  }
0x39e: {  	[tilespmem:s31], [sflag:$0x1] =	stream.indirect_vreg.gather [hbm4b:s7+s2], $0x80, v3, vm1, $0xb8;
	[tilespmem:$0xC080] =	vst v63  }
0x39f: {  	v3 =	vld [tilespmem:$0x40];
	_ =	sdelay $0x4  }
0x3a0: {  	v52 =	vshrl.u32 v3, $0x3  }
0x3a1: {  	v4 =	vmul.u32 $0x18, v52  }
0x3a2: {  	v3 =	vand.u32 $0x7, v3  }
0x3a3: {  	v3 =	vor.u32 v3, v4  }
0x3a4: {  	v4 =	vperm.xlane v3, v0;
	_ =	sdelay $0x1  }
0x3a5: {  	v4 =	vadd.s32 v1, v4;
	_ =	sdelay $0x1  }
0x3a6: {  	v3 =	vperm.xlane v3, v2;
	_ =	sdelay $0x1  }
0x3a7: {  	s29 =	simm.s32 $0x6080;
	v3 =	vadd.s32 v1, v3  }
0x3a8: {  	[tilespmem:s29], [sflag:$0x1] =	stream.indirect_vreg.gather [hbm4b:s5+s2], $0x80, v4, vm0, $0xb8;
	[tilespmem:$0xC080] =	vst v63  }
0x3a9: {  	s13 =	simm.s32 $0x6880  }
0x3aa: {  	[tilespmem:s13], [sflag:$0x1] =	stream.indirect_vreg.gather [hbm4b:s7+s2], $0x80, v4, vm1, $0xb8;
	[tilespmem:$0xC080] =	vst v63  }
0x3ab: {  	s18 =	simm.s32 $0x6C80  }
0x3ac: {  	[tilespmem:s18], [sflag:$0x1] =	stream.indirect_vreg.gather [hbm4b:s5+s2], $0x80, v3, vm0, $0xb8;
	[tilespmem:$0xC080] =	vst v63  }
0x3ad: {  	s14 =	simm.s32 $0x7480  }
0x3ae: {  	[tilespmem:s14], [sflag:$0x1] =	stream.indirect_vreg.gather [hbm4b:s7+s2], $0x80, v3, vm1, $0xb8;
	[tilespmem:$0xC080] =	vst v63  }
0x3af: {  	v3 =	vld [tilespmem:$0x50];
	_ =	sdelay $0x4  }
0x3b0: {  	v53 =	vshrl.u32 v3, $0x3  }
0x3b1: {  	v4 =	vmul.u32 $0x18, v53  }
0x3b2: {  	v3 =	vand.u32 $0x7, v3  }
0x3b3: {  	v3 =	vor.u32 v3, v4  }
0x3b4: {  	v4 =	vperm.xlane v3, v0;
	_ =	sdelay $0x1  }
0x3b5: {  	v4 =	vadd.s32 v1, v4;
	_ =	sdelay $0x1  }
0x3b6: {  	v3 =	vperm.xlane v3, v2;
	_ =	sdelay $0x1  }
0x3b7: {  	s15 =	simm.s32 $0x7880;
	v3 =	vadd.s32 v1, v3  }
0x3b8: {  	[tilespmem:s15], [sflag:$0x1] =	stream.indirect_vreg.gather [hbm4b:s5+s2], $0x80, v4, vm0, $0xb8;
	[tilespmem:$0xC080] =	vst v63  }
0x3b9: {  	s15 =	simm.s32 $0x8080  }
0x3ba: {  	[tilespmem:s15], [sflag:$0x1] =	stream.indirect_vreg.gather [hbm4b:s7+s2], $0x80, v4, vm1, $0xb8;
	[tilespmem:$0xC080] =	vst v63  }
0x3bb: {  	s16 =	simm.s32 $0x8480  }
0x3bc: {  	[tilespmem:s16], [sflag:$0x1] =	stream.indirect_vreg.gather [hbm4b:s5+s2], $0x80, v3, vm0, $0xb8;
	[tilespmem:$0xC080] =	vst v63  }
0x3bd: {  	s16 =	simm.s32 $0x8C80  }
0x3be: {  	[tilespmem:s16], [sflag:$0x1] =	stream.indirect_vreg.gather [hbm4b:s7+s2], $0x80, v3, vm1, $0xb8;
	[tilespmem:$0xC080] =	vst v63  }
0x3bf: {  	v3 =	vld [tilespmem:$0x60];
	_ =	sdelay $0x4  }
0x3c0: {  	v54 =	vshrl.u32 v3, $0x3  }
0x3c1: {  	v4 =	vmul.u32 $0x18, v54  }
0x3c2: {  	v3 =	vand.u32 $0x7, v3  }
0x3c3: {  	v3 =	vor.u32 v3, v4  }
0x3c4: {  	v4 =	vperm.xlane v3, v0;
	_ =	sdelay $0x1  }
0x3c5: {  	v4 =	vadd.s32 v1, v4;
	_ =	sdelay $0x1  }
0x3c6: {  	v3 =	vperm.xlane v3, v2;
	_ =	sdelay $0x1  }
0x3c7: {  	s18 =	simm.s32 $0x9080;
	v3 =	vadd.s32 v1, v3  }
0x3c8: {  	[tilespmem:s18], [sflag:$0x1] =	stream.indirect_vreg.gather [hbm4b:s5+s2], $0x80, v4, vm0, $0xb8;
	[tilespmem:$0xC080] =	vst v63  }
0x3c9: {  	s20 =	simm.s32 $0x9880  }
0x3ca: {  	[tilespmem:s20], [sflag:$0x1] =	stream.indirect_vreg.gather [hbm4b:s7+s2], $0x80, v4, vm1, $0xb8;
	[tilespmem:$0xC080] =	vst v63  }
0x3cb: {  	s21 =	simm.s32 $0x9C80  }
0x3cc: {  	[tilespmem:s21], [sflag:$0x1] =	stream.indirect_vreg.gather [hbm4b:s5+s2], $0x80, v3, vm0, $0xb8;
	[tilespmem:$0xC080] =	vst v63  }
0x3cd: {  	s16 =	simm.s32 $0xA480  }
0x3ce: {  	[tilespmem:s16], [sflag:$0x1] =	stream.indirect_vreg.gather [hbm4b:s7+s2], $0x80, v3, vm1, $0xb8;
	[tilespmem:$0xC080] =	vst v63  }
0x3cf: {  	v3 =	vld [tilespmem:$0x70];
	_ =	sdelay $0x4  }
0x3d0: {  	v55 =	vshrl.u32 v3, $0x3  }
0x3d1: {  	v4 =	vmul.u32 $0x18, v55  }
0x3d2: {  	v3 =	vand.u32 $0x7, v3  }
0x3d3: {  	v3 =	vor.u32 v3, v4  }
0x3d4: {  	v4 =	vperm.xlane v3, v0;
	_ =	sdelay $0x1  }
0x3d5: {  	v4 =	vadd.s32 v1, v4;
	_ =	sdelay $0x1  }
0x3d6: {  	v3 =	vperm.xlane v3, v2;
	_ =	sdelay $0x1  }
0x3d7: {  	s17 =	simm.s32 $0xA880;
	v3 =	vadd.s32 v1, v3  }
0x3d8: {  	[tilespmem:s17], [sflag:$0x1] =	stream.indirect_vreg.gather [hbm4b:s5+s2], $0x80, v4, vm0, $0xb8;
	[tilespmem:$0xC080] =	vst v63  }
0x3d9: {  	s3 =	simm.s32 $0xB080  }
0x3da: {  	[tilespmem:s3], [sflag:$0x1] =	stream.indirect_vreg.gather [hbm4b:s7+s2], $0x80, v4, vm1, $0xb8;
	[tilespmem:$0xC080] =	vst v63  }
0x3db: {  	s8 =	simm.s32 $0xB480  }
0x3dc: {  	[tilespmem:s8], [sflag:$0x1] =	stream.indirect_vreg.gather [hbm4b:s5+s2], $0x80, v3, vm0, $0xb8;
	[tilespmem:$0xC080] =	vst v63  }
0x3dd: {  	s20 =	simm.s32 $0xBC80  }
0x3de: {  	[tilespmem:s20], [sflag:$0x1] =	stream.indirect_vreg.gather [hbm4b:s7+s2], $0x80, v3, vm1, $0xb8;
	[tilespmem:$0xC080] =	vst v63  }
0x3df: {  	_ =	swait.ge [sflag:s19], $0xC000  }
0x3e0: {  	[sflag:s19] =	ssyncset.done $0x0  }
0x3e1: {  	s17 =	rddreg [dreg:$0x10];
	[sflag:s19] =	ssyncadd.s32 $0xFFFF4000  }
0x3e2: {  	[hbm4b:s17+s2] =	stream.linear.scatter [tilespmem:s10], [sflag:$0x2], $0xC000, $0x38;
	[tilespmem:$0xC080] =	vst v63  }
0x3e3: {  	_ =	swait.ge [sflag:s9], $0xC000  }
0x3e4: {  	[sflag:s9] =	ssyncset.done $0x0  }
0x3e5: {  	s17 =	rddreg [dreg:$0x11];
	[sflag:s9] =	ssyncadd.s32 $0xFFFF4000  }
0x3e6: {  	[tilespmem:s2], [sflag:$0x2] =	stream.linear.gather [hbm4b:s17+s2], $0x80, $0x38;
	[tilespmem:$0xC080] =	vst v63  }
0x3e7: {  	_ =	swait.ge [sflag:s9], $0x80  }
0x3e8: {  	[sflag:s9] =	ssyncset.done $0x0  }
0x3e9: {  	[sflag:s9] =	ssyncadd.s32 $0xFFFFFF80  }
0x3ea: {  	v3 =	vld [tilespmem:$0x0];
	_ =	sdelay $0x4  }
0x3eb: {  	v56 =	vshrl.u32 v3, $0x3  }
0x3ec: {  	v4 =	vmul.u32 $0x18, v56  }
0x3ed: {  	v3 =	vand.u32 $0x7, v3  }
0x3ee: {  	v3 =	vor.u32 v3, v4  }
0x3ef: {  	v4 =	vperm.xlane v3, v0;
	_ =	sdelay $0x1  }
0x3f0: {  	v4 =	vadd.s32 v1, v4;
	_ =	sdelay $0x1  }
0x3f1: {  	v3 =	vperm.xlane v3, v2;
	_ =	sdelay $0x1  }
0x3f2: {  	v3 =	vadd.s32 v1, v3  }
0x3f3: {  	[tilespmem:s10], [sflag:$0x1] =	stream.indirect_vreg.gather [hbm4b:s5+s2], $0x80, v4, vm0, $0xb8;
	[tilespmem:$0xC080] =	vst v63  }
0x3f4: {  	s1 =	simm.s32 $0x880  }
0x3f5: {  	[tilespmem:s1], [sflag:$0x1] =	stream.indirect_vreg.gather [hbm4b:s7+s2], $0x80, v4, vm1, $0xb8;
	[tilespmem:$0xC080] =	vst v63  }
0x3f6: {  	s23 =	simm.s32 $0xC80  }
0x3f7: {  	[tilespmem:s23], [sflag:$0x1] =	stream.indirect_vreg.gather [hbm4b:s5+s2], $0x80, v3, vm0, $0xb8;
	[tilespmem:$0xC080] =	vst v63  }
0x3f8: {  	s0 =	simm.s32 $0x1480  }
0x3f9: {  	[tilespmem:s0], [sflag:$0x1] =	stream.indirect_vreg.gather [hbm4b:s7+s2], $0x80, v3, vm1, $0xb8;
	[tilespmem:$0xC080] =	vst v63  }
0x3fa: {  	v3 =	vld [tilespmem:$0x10];
	_ =	sdelay $0x4  }
0x3fb: {  	v57 =	vshrl.u32 v3, $0x3  }
0x3fc: {  	v4 =	vmul.u32 $0x18, v57  }
0x3fd: {  	v3 =	vand.u32 $0x7, v3  }
0x3fe: {  	v3 =	vor.u32 v3, v4  }
0x3ff: {  	v4 =	vperm.xlane v3, v0;
	_ =	sdelay $0x1  }
0x400: {  	v4 =	vadd.s32 v1, v4;
	_ =	sdelay $0x1  }
0x401: {  	v3 =	vperm.xlane v3, v2;
	_ =	sdelay $0x1  }
0x402: {  	s20 =	simm.s32 $0x1880;
	v3 =	vadd.s32 v1, v3  }
0x403: {  	[tilespmem:s20], [sflag:$0x1] =	stream.indirect_vreg.gather [hbm4b:s5+s2], $0x80, v4, vm0, $0xb8;
	[tilespmem:$0xC080] =	vst v63  }
0x404: {  	s23 =	simm.s32 $0x2080  }
0x405: {  	[tilespmem:s23], [sflag:$0x1] =	stream.indirect_vreg.gather [hbm4b:s7+s2], $0x80, v4, vm1, $0xb8;
	[tilespmem:$0xC080] =	vst v63  }
0x406: {  	s17 =	simm.s32 $0x2480  }
0x407: {  	[tilespmem:s17], [sflag:$0x1] =	stream.indirect_vreg.gather [hbm4b:s5+s2], $0x80, v3, vm0, $0xb8;
	[tilespmem:$0xC080] =	vst v63  }
0x408: {  	s20 =	simm.s32 $0x2C80  }
0x409: {  	[tilespmem:s20], [sflag:$0x1] =	stream.indirect_vreg.gather [hbm4b:s7+s2], $0x80, v3, vm1, $0xb8;
	[tilespmem:$0xC080] =	vst v63  }
0x40a: {  	v3 =	vld [tilespmem:$0x20];
	_ =	sdelay $0x4  }
0x40b: {  	v58 =	vshrl.u32 v3, $0x3  }
0x40c: {  	v4 =	vmul.u32 $0x18, v58  }
0x40d: {  	v3 =	vand.u32 $0x7, v3  }
0x40e: {  	v3 =	vor.u32 v3, v4  }
0x40f: {  	v4 =	vperm.xlane v3, v0;
	_ =	sdelay $0x1  }
0x410: {  	v4 =	vadd.s32 v1, v4;
	_ =	sdelay $0x1  }
0x411: {  	v3 =	vperm.xlane v3, v2;
	_ =	sdelay $0x1  }
0x412: {  	s23 =	simm.s32 $0x3080;
	v3 =	vadd.s32 v1, v3  }
0x413: {  	[tilespmem:s23], [sflag:$0x1] =	stream.indirect_vreg.gather [hbm4b:s5+s2], $0x80, v4, vm0, $0xb8;
	[tilespmem:$0xC080] =	vst v63  }
0x414: {  	s24 =	simm.s32 $0x3880  }
0x415: {  	[tilespmem:s24], [sflag:$0x1] =	stream.indirect_vreg.gather [hbm4b:s7+s2], $0x80, v4, vm1, $0xb8;
	[tilespmem:$0xC080] =	vst v63  }
0x416: {  	s25 =	simm.s32 $0x3C80  }
0x417: {  	[tilespmem:s25], [sflag:$0x1] =	stream.indirect_vreg.gather [hbm4b:s5+s2], $0x80, v3, vm0, $0xb8;
	[tilespmem:$0xC080] =	vst v63  }
0x418: {  	s24 =	simm.s32 $0x4480  }
0x419: {  	[tilespmem:s24], [sflag:$0x1] =	stream.indirect_vreg.gather [hbm4b:s7+s2], $0x80, v3, vm1, $0xb8;
	[tilespmem:$0xC080] =	vst v63  }
0x41a: {  	v3 =	vld [tilespmem:$0x30];
	_ =	sdelay $0x4  }
0x41b: {  	v59 =	vshrl.u32 v3, $0x3  }
0x41c: {  	v4 =	vmul.u32 $0x18, v59  }
0x41d: {  	v3 =	vand.u32 $0x7, v3  }
0x41e: {  	v3 =	vor.u32 v3, v4  }
0x41f: {  	v4 =	vperm.xlane v3, v0;
	_ =	sdelay $0x1  }
0x420: {  	v4 =	vadd.s32 v1, v4;
	_ =	sdelay $0x1  }
0x421: {  	v3 =	vperm.xlane v3, v2;
	_ =	sdelay $0x1  }
0x422: {  	s28 =	simm.s32 $0x4880;
	v3 =	vadd.s32 v1, v3  }
0x423: {  	[tilespmem:s28], [sflag:$0x1] =	stream.indirect_vreg.gather [hbm4b:s5+s2], $0x80, v4, vm0, $0xb8;
	[tilespmem:$0xC080] =	vst v63  }
0x424: {  	s22 =	simm.s32 $0x5080  }
0x425: {  	[tilespmem:s22], [sflag:$0x1] =	stream.indirect_vreg.gather [hbm4b:s7+s2], $0x80, v4, vm1, $0xb8;
	[tilespmem:$0xC080] =	vst v63  }
0x426: {  	s11 =	simm.s32 $0x5480  }
0x427: {  	[tilespmem:s11], [sflag:$0x1] =	stream.indirect_vreg.gather [hbm4b:s5+s2], $0x80, v3, vm0, $0xb8;
	[tilespmem:$0xC080] =	vst v63  }
0x428: {  	s25 =	simm.s32 $0x5C80  }
0x429: {  	[tilespmem:s25], [sflag:$0x1] =	stream.indirect_vreg.gather [hbm4b:s7+s2], $0x80, v3, vm1, $0xb8;
	[tilespmem:$0xC080] =	vst v63  }
0x42a: {  	v3 =	vld [tilespmem:$0x40];
	_ =	sdelay $0x4  }
0x42b: {  	v60 =	vshrl.u32 v3, $0x3  }
0x42c: {  	v4 =	vmul.u32 $0x18, v60  }
0x42d: {  	v3 =	vand.u32 $0x7, v3  }
0x42e: {  	v3 =	vor.u32 v3, v4  }
0x42f: {  	v4 =	vperm.xlane v3, v0;
	_ =	sdelay $0x1  }
0x430: {  	v4 =	vadd.s32 v1, v4;
	_ =	sdelay $0x1  }
0x431: {  	v3 =	vperm.xlane v3, v2;
	_ =	sdelay $0x1  }
0x432: {  	s26 =	simm.s32 $0x6080;
	v3 =	vadd.s32 v1, v3  }
0x433: {  	[tilespmem:s26], [sflag:$0x1] =	stream.indirect_vreg.gather [hbm4b:s5+s2], $0x80, v4, vm0, $0xb8;
	[tilespmem:$0xC080] =	vst v63  }
0x434: {  	s29 =	simm.s32 $0x6880  }
0x435: {  	[tilespmem:s29], [sflag:$0x1] =	stream.indirect_vreg.gather [hbm4b:s7+s2], $0x80, v4, vm1, $0xb8;
	[tilespmem:$0xC080] =	vst v63  }
0x436: {  	s30 =	simm.s32 $0x6C80  }
0x437: {  	[tilespmem:s30], [sflag:$0x1] =	stream.indirect_vreg.gather [hbm4b:s5+s2], $0x80, v3, vm0, $0xb8;
	[tilespmem:$0xC080] =	vst v63  }
0x438: {  	s12 =	simm.s32 $0x7480  }
0x439: {  	[tilespmem:s12], [sflag:$0x1] =	stream.indirect_vreg.gather [hbm4b:s7+s2], $0x80, v3, vm1, $0xb8;
	[tilespmem:$0xC080] =	vst v63  }
0x43a: {  	v3 =	vld [tilespmem:$0x50];
	_ =	sdelay $0x4  }
0x43b: {  	v61 =	vshrl.u32 v3, $0x3  }
0x43c: {  	v4 =	vmul.u32 $0x18, v61  }
0x43d: {  	v3 =	vand.u32 $0x7, v3  }
0x43e: {  	v3 =	vor.u32 v3, v4  }
0x43f: {  	v4 =	vperm.xlane v3, v0;
	_ =	sdelay $0x1  }
0x440: {  	v4 =	vadd.s32 v1, v4;
	_ =	sdelay $0x1  }
0x441: {  	v3 =	vperm.xlane v3, v2;
	_ =	sdelay $0x1  }
0x442: {  	s13 =	simm.s32 $0x7880;
	v3 =	vadd.s32 v1, v3  }
0x443: {  	[tilespmem:s13], [sflag:$0x1] =	stream.indirect_vreg.gather [hbm4b:s5+s2], $0x80, v4, vm0, $0xb8;
	[tilespmem:$0xC080] =	vst v63  }
0x444: {  	s31 =	simm.s32 $0x8080  }
0x445: {  	[tilespmem:s31], [sflag:$0x1] =	stream.indirect_vreg.gather [hbm4b:s7+s2], $0x80, v4, vm1, $0xb8;
	[tilespmem:$0xC080] =	vst v63  }
0x446: {  	s14 =	simm.s32 $0x8480  }
0x447: {  	[tilespmem:s14], [sflag:$0x1] =	stream.indirect_vreg.gather [hbm4b:s5+s2], $0x80, v3, vm0, $0xb8;
	[tilespmem:$0xC080] =	vst v63  }
0x448: {  	s28 =	simm.s32 $0x8C80  }
0x449: {  	[tilespmem:s28], [sflag:$0x1] =	stream.indirect_vreg.gather [hbm4b:s7+s2], $0x80, v3, vm1, $0xb8;
	[tilespmem:$0xC080] =	vst v63  }
0x44a: {  	v3 =	vld [tilespmem:$0x60];
	_ =	sdelay $0x4  }
0x44b: {  	v62 =	vshrl.u32 v3, $0x3  }
0x44c: {  	v4 =	vmul.u32 $0x18, v62  }
0x44d: {  	v3 =	vand.u32 $0x7, v3  }
0x44e: {  	v3 =	vor.u32 v3, v4  }
0x44f: {  	v4 =	vperm.xlane v3, v0;
	_ =	sdelay $0x1  }
0x450: {  	v4 =	vadd.s32 v1, v4;
	_ =	sdelay $0x1  }
0x451: {  	v3 =	vperm.xlane v3, v2;
	_ =	sdelay $0x1  }
0x452: {  	s29 =	simm.s32 $0x9080;
	v3 =	vadd.s32 v1, v3  }
0x453: {  	[tilespmem:s29], [sflag:$0x1] =	stream.indirect_vreg.gather [hbm4b:s5+s2], $0x80, v4, vm0, $0xb8;
	[tilespmem:$0xC080] =	vst v63  }
0x454: {  	s30 =	simm.s32 $0x9880  }
0x455: {  	[tilespmem:s30], [sflag:$0x1] =	stream.indirect_vreg.gather [hbm4b:s7+s2], $0x80, v4, vm1, $0xb8;
	[tilespmem:$0xC080] =	vst v63  }
0x456: {  	s18 =	simm.s32 $0x9C80  }
0x457: {  	[tilespmem:s18], [sflag:$0x1] =	stream.indirect_vreg.gather [hbm4b:s5+s2], $0x80, v3, vm0, $0xb8;
	[tilespmem:$0xC080] =	vst v63  }
0x458: {  	s21 =	simm.s32 $0xA480  }
0x459: {  	[tilespmem:s21], [sflag:$0x1] =	stream.indirect_vreg.gather [hbm4b:s7+s2], $0x80, v3, vm1, $0xb8;
	[tilespmem:$0xC080] =	vst v63  }
0x45a: {  	v3 =	vld [tilespmem:$0x70];
	_ =	sdelay $0x4  }
0x45b: {  	v63 =	vshrl.u32 v3, $0x3  }
0x45c: {  	v4 =	vmul.u32 $0x18, v63  }
0x45d: {  	v3 =	vand.u32 $0x7, v3  }
0x45e: {  	v3 =	vor.u32 v3, v4  }
0x45f: {  	v4 =	vperm.xlane v3, v0;
	_ =	sdelay $0x1  }
0x460: {  	v4 =	vadd.s32 v1, v4;
	_ =	sdelay $0x1  }
0x461: {  	v3 =	vperm.xlane v3, v2;
	_ =	sdelay $0x1  }
0x462: {  	s16 =	simm.s32 $0xA880;
	v3 =	vadd.s32 v1, v3  }
0x463: {  	[tilespmem:s16], [sflag:$0x1] =	stream.indirect_vreg.gather [hbm4b:s5+s2], $0x80, v4, vm0, $0xb8;
	[tilespmem:$0xC080] =	vst v63  }
0x464: {  	s15 =	simm.s32 $0xB080  }
0x465: {  	[tilespmem:s15], [sflag:$0x1] =	stream.indirect_vreg.gather [hbm4b:s7+s2], $0x80, v4, vm1, $0xb8;
	[tilespmem:$0xC080] =	vst v63  }
0x466: {  	s3 =	simm.s32 $0xB480  }
0x467: {  	[tilespmem:s3], [sflag:$0x1] =	stream.indirect_vreg.gather [hbm4b:s5+s2], $0x80, v3, vm0, $0xb8;
	[tilespmem:$0xC080] =	vst v63  }
0x468: {  	s8 =	simm.s32 $0xBC80  }
0x469: {  	[tilespmem:s8], [sflag:$0x1] =	stream.indirect_vreg.gather [hbm4b:s7+s2], $0x80, v3, vm1, $0xb8;
	[tilespmem:$0xC080] =	vst v63  }
0x46a: {  	s0 =	rddreg [dreg:$0x14];
	_ =	swait.ge [sflag:s19], $0xC000  }
0x46b: {  	p0 =	sne.s32 s0, $0x1;
	[sflag:s19] =	ssyncset.done $0x0  }
.Ltmp0:
0x46c: {  	s31 =	rddreg [dreg:$0x12];
	[sflag:s19] =	ssyncadd.s32 $0xFFFF4000;
	(pc) =	sbr.rel @p0 .LBB2_1-.Ltmp0, $4  }
0x46d: {  	[hbm4b:s31+s2] =	stream.linear.scatter [tilespmem:s10], [sflag:$0x2], $0xC000, $0x38;
	[tilespmem:$0xC080] =	vst v63  }
0x46e: {  	_ =	swait.ge [sflag:s9], $0xC000  }
0x46f: {  	[sflag:s9] =	ssyncset.done $0x0  }
0x470: {  	s0 =	sadd.s32 $0xFFFFFFFF, s0;
	[sflag:s9] =	ssyncadd.s32 $0xFFFF4000  }
0x471: {  	_ =	sfence.sel $0x180000  }
0x472: {  	[bflag:$0x0] =	sbarrier.arrive $0xFFFF  }
0x473: {  	_ =	strace $0x90000047  }
0x474: {  	s0 =	stileid.u32;
	[bflag:$0x2] =	sbarrier.arrive $0xFFFF  }
0x475: {  	p0 =	sne.s32 s0, $0x0;
	s0 =	rddreg [dreg:$0x3]  }
0x476: {  	s0 =	sadd.s32 @!p0 $0x100000, s0  }
0x477: {  	[sflag:s0] =	ssyncadd.tile.s32 @!p0 $0x1;
	_ =	shalt  }
.Lfunc_end2:
_tile_overlayer_lowered:
.L_overlay_start_2:
0x478: {  	(tag) =	ssettag $0x2  }
0x479: {  	s0 =	rddreg [dreg:$0x0];
	s2 =	stileid.u32  }
0x47a: {  	s1 =	rddreg [dreg:$0x1];
	p0 =	sne.s32 s2, $0x0  }
0x47b: {  	s3 =	rddreg [dreg:$0x2];
	[bflag:$0x3] =	sbarrier.arrive $0xFFFF;
	s2 =	simm.s32 @!p0 $0x1C02  }
0x47c: {  	[timem:s3], [sflag:s2] =	dma.local @!p0 [hbm:s0], s1  }
0x47d: {  	s0 =	simm.s32 @!p0 $0x2  }
0x47e: {  	_ =	swait.ge @!p0 [sflag:s0], s1  }
0x47f: {  	s1 =	ssub.s32 @!p0 $0x0, s1;
	[sflag:s0] =	ssyncset.done @!p0 $0x0  }
0x480: {  	[sflag:s0] =	ssyncadd.s32 @!p0 s1  }
0x481: {  	[bflag:$0x3] =	sbarrier.arrive $0xFFFF  }
0x482: {  	_ =	shalt  }

</sc_bundles>
